<compile_context>
chip_gen: v7x
topology: tpu7x:2x2x1
jax: 0.10.2.dev20260603
libtpu: 0.0.44.dev20260713+nightly
codegen_flags: <defaults>
</compile_context>

<pallas_src>
import functools

import jax
import jax.numpy as jnp
from jax import lax
from jax.experimental import pallas as pl
from jax.experimental.pallas import tpu as pltpu
from jax.experimental.pallas import tpu_sc as plsc

N = 50000
E = 800000
CIN = 16
COUT = 16
MID = 32

NC = 2
NS = 16
NW = NC * NS

CHUNK = 128
G = 14
GITERS = 14
CPT = G * GITERS
EPT = CPT * CHUNK
E_PAD = NW * EPT

NACC = 50048
RPT = NACC // NS

@functools.cache
def _mesh():
    return plsc.VectorSubcoreMesh(
        core_axis_name="c", subcore_axis_name="s", num_cores=NC, num_subcores=NS
    )


@functools.cache
def _sc_gather_kernel():
    @functools.partial(
        pl.kernel,
        out_type=jax.ShapeDtypeStruct((E_PAD, CIN), jnp.float32),
        mesh=_mesh(),
        scratch_types=[
            pltpu.VMEM((CPT, CHUNK), jnp.int32),
            pltpu.VMEM((G * CHUNK, CIN), jnp.float32),
            pltpu.SemaphoreType.DMA,
        ],
        compiler_params=pltpu.CompilerParams(use_tc_tiling_on_sc=False),
    )
    def _sc_gather(nf_hbm, src_hbm, out_hbm, idx_v, rows_v, sem):
        wid = lax.axis_index("s") * NC + lax.axis_index("c")
        pltpu.sync_copy(src_hbm.at[wid], idx_v)

        def body(g, carry):
            descs = [
                pltpu.async_copy(
                    nf_hbm.at[idx_v.at[g * G + b]],
                    rows_v.at[pl.ds(b * CHUNK, CHUNK)],
                    sem,
                )
                for b in range(G)
            ]
            for d in descs:
                d.wait()
            pltpu.sync_copy(
                rows_v, out_hbm.at[pl.ds(wid * EPT + g * (G * CHUNK), G * CHUNK)]
            )
            return carry

        lax.fori_loop(0, GITERS, body, 0)

    return _sc_gather


_BLK = 8192


def _tc_compute_body(eft_ref, f_ref, w1_ref, w2_ref, b2c_ref, w3_ref, out_ref):
    eft = eft_ref[...]
    h1t = jnp.maximum(
        lax.dot_general(w1_ref[...], eft, (((0,), (0,)), ((), ())),
                        preferred_element_type=jnp.float32),
        0.0,
    )
    h2t = jnp.maximum(
        lax.dot_general(w2_ref[...], h1t, (((0,), (0,)), ((), ())),
                        preferred_element_type=jnp.float32)
        + b2c_ref[:, 0:1],
        0.0,
    )
    rw = lax.dot_general(h2t.astype(jnp.bfloat16), w3_ref[...],
                         (((0,), (0,)), ((), ())),
                         preferred_element_type=jnp.float32)

    fp = f_ref[...].astype(jnp.bfloat16)
    mi = lax.broadcasted_iota(jnp.int32, (8, 128), 0)
    li = lax.broadcasted_iota(jnp.int32, (8, 128), 1)
    mk8 = jnp.where((li >> 4) == mi, 1.0, 0.0)
    mk8b = mk8.astype(jnp.bfloat16)
    f83 = jnp.broadcast_to(fp[None, :, :], (8, _BLK // 8, 128))
    fm = jnp.reshape(f83 * mk8b[:, None, :], (_BLK, 128))
    ci = lax.broadcasted_iota(jnp.int32, (128, COUT * CIN), 0)
    cj = lax.broadcasted_iota(jnp.int32, (128, COUT * CIN), 1)
    cmat = jnp.where((ci & 15) == (cj & 15), 1.0, 0.0).astype(jnp.bfloat16)
    frep = jnp.dot(fm, cmat, preferred_element_type=jnp.float32)

    prod = (rw * frep).astype(jnp.bfloat16)
    si = lax.broadcasted_iota(jnp.int32, (COUT * CIN, 128), 0)
    sc = lax.broadcasted_iota(jnp.int32, (COUT * CIN, 128), 1)
    sd = jnp.where((sc & 15) == (si >> 4), 1.0, 0.0).astype(jnp.bfloat16)
    t128 = jnp.dot(prod, sd, preferred_element_type=jnp.float32)
    t3 = jnp.reshape(t128, (8, _BLK // 8, 128))
    out_ref[...] = jnp.sum(t3 * mk8[:, None, :], axis=0)


def _tc_compute(eft, feats_p, w18, w2, b2c, w3):
    grid = E_PAD // _BLK
    return pl.pallas_call(
        _tc_compute_body,
        grid=(grid,),
        in_specs=[
            pl.BlockSpec((8, _BLK), lambda i: (0, i)),
            pl.BlockSpec((_BLK // 8, 128), lambda i: (i, 0)),
            pl.BlockSpec((8, MID), lambda i: (0, 0)),
            pl.BlockSpec((MID, MID), lambda i: (0, 0)),
            pl.BlockSpec((MID, 128), lambda i: (0, 0)),
            pl.BlockSpec((MID, COUT * CIN), lambda i: (0, 0)),
        ],
        out_specs=pl.BlockSpec((_BLK // 8, 128), lambda i: (i, 0)),
        out_shape=jax.ShapeDtypeStruct((E_PAD // 8, 128), jnp.float32),
    )(eft, feats_p, w18, w2, b2c, w3)


@functools.cache
def _sc_scatter_kernel():
    @functools.partial(
        pl.kernel,
        out_type=jax.ShapeDtypeStruct((NC, NACC, COUT), jnp.float32),
        mesh=_mesh(),
        scratch_types=[
            pltpu.VMEM((CPT, CHUNK), jnp.int32),
            pltpu.VMEM((G * CHUNK, COUT), jnp.float32),
            pltpu.VMEM_SHARED((NACC, COUT), jnp.float32),
        ],
        compiler_params=pltpu.CompilerParams(use_tc_tiling_on_sc=False),
    )
    def _sc_scatter(tmp_hbm, dst_hbm, zero_hbm, out_hbm, idx_v, rows_v, acc):
        cid = lax.axis_index("c")
        sid = lax.axis_index("s")
        wid = sid * NC + cid
        pltpu.sync_copy(dst_hbm.at[wid], idx_v)

        @pl.when(sid == 0)
        def _():
            pltpu.sync_copy(zero_hbm, acc)

        plsc.subcore_barrier()

        def body(g, carry):
            pltpu.sync_copy(
                tmp_hbm.at[pl.ds(wid * EPT + g * (G * CHUNK), G * CHUNK)], rows_v
            )
            for b in range(G):
                pltpu.sync_copy(
                    rows_v.at[pl.ds(b * CHUNK, CHUNK)],
                    acc.at[idx_v.at[g * G + b]],
                    add=True,
                )
            return carry

        lax.fori_loop(0, GITERS, body, 0)
        plsc.subcore_barrier()
        pltpu.sync_copy(
            acc.at[pl.ds(sid * RPT, RPT)],
            out_hbm.at[cid, pl.ds(sid * RPT, RPT)],
        )

    return _sc_scatter


_APACK = NACC * COUT // 128


def _tc_add(ab):
    grid = 2
    blk = _APACK // grid
    return pl.pallas_call(
        lambda a_ref, out_ref: out_ref.__setitem__(
            (slice(None), slice(None)), a_ref[0] + a_ref[1]
        ),
        grid=(grid,),
        in_specs=[pl.BlockSpec((2, blk, 128), lambda i: (0, i, 0))],
        out_specs=pl.BlockSpec((blk, 128), lambda i: (i, 0)),
        out_shape=jax.ShapeDtypeStruct((_APACK, 128), jnp.float32),
    )(ab)


def kernel(node_feats_0, invariant_edge_feats, edge_index, W1, b1, W2, b2, W3):
    nf = node_feats_0.reshape(N, CIN)
    src = edge_index[0]
    dst = edge_index[1]
    pad = E_PAD - E

    src_p = jnp.concatenate([src, jnp.zeros((pad,), jnp.int32)]).reshape(NW, CPT, CHUNK)
    dst_p = jnp.concatenate([dst, jnp.full((pad,), N, jnp.int32)]).reshape(NW, CPT, CHUNK)

    eft = jnp.concatenate(
        [
            invariant_edge_feats.T,
            jnp.ones((1, E), jnp.float32),
            jnp.zeros((3, E), jnp.float32),
        ],
        axis=0,
    )
    eft = jnp.concatenate([eft, jnp.zeros((8, pad), jnp.float32)], axis=1)
    eft = (
        eft.reshape(8, E_PAD // _BLK, _BLK // 8, 8)
        .swapaxes(2, 3)
        .reshape(8, E_PAD)
    )

    w18 = jnp.concatenate([W1, b1[None, :], jnp.zeros((3, MID), jnp.float32)], axis=0)
    b2c = jnp.broadcast_to(b2[:, None], (MID, 128))

    feats = _sc_gather_kernel()(nf, src_p)
    feats_p = feats.reshape(E_PAD // 8, 128)
    tmp_p = _tc_compute(eft, feats_p, w18, W2, b2c, W3.astype(jnp.bfloat16))
    tmp = tmp_p.reshape(E_PAD, COUT)
    zero = jnp.zeros((NACC, COUT), jnp.float32)
    partials = _sc_scatter_kernel()(tmp, dst_p, zero)
    out_p = _tc_add(partials.reshape(NC, _APACK, 128))
    out = out_p.reshape(NACC, COUT)[:N]
    return out.reshape(N, CIN, 1)

# --- scband reference (transcript-rebuilt; emitter-appended) ---
"""Pipeline reference for scband-conv-se3-68547678044850 (READ-ONLY COPY).

The authoritative reference and input builder live on the scoring server;
editing this copy changes nothing except your own understanding.
"""

import jax, jax.numpy as jnp
import numpy as np

N_NODES = 50000
N_EDGES = 800000
C_IN = 16
C_OUT = 16
EDGE_DIM = 4  # fiber_edge[0] + 1 (distance appended)
MID_DIM = 32
NUM_FREQ = 1  # max_degree=0 -> sum over (d_in,d_out)=(0,0) of degree_to_dim(0)=1


def setup_inputs(seed: int = 0) -> dict:
    key = jax.random.key(seed)
    ks = jax.random.split(key, 8)
    node_feats_0 = jax.random.normal(ks[0], (N_NODES, C_IN, 1), dtype=jnp.float32)
    invariant_edge_feats = jax.random.uniform(ks[1], (N_EDGES, EDGE_DIM), dtype=jnp.float32)
    edge_index = jax.random.randint(ks[2], (2, N_EDGES), 0, N_NODES, dtype=jnp.int32)
    # RadialProfile MLP params: Linear(EDGE_DIM->MID), ReLU, Linear(MID->MID), ReLU, Linear(MID->NUM_FREQ*C_IN*C_OUT, no bias)
    W1 = jax.random.normal(ks[3], (EDGE_DIM, MID_DIM), dtype=jnp.float32) / np.sqrt(EDGE_DIM)
    b1 = jnp.zeros((MID_DIM,), dtype=jnp.float32)
    W2 = jax.random.normal(ks[4], (MID_DIM, MID_DIM), dtype=jnp.float32) / np.sqrt(MID_DIM)
    b2 = jnp.zeros((MID_DIM,), dtype=jnp.float32)
    W3 = jax.random.normal(ks[5], (MID_DIM, NUM_FREQ * C_IN * C_OUT), dtype=jnp.float32) / np.sqrt(MID_DIM)
    return {
        'node_feats_0': node_feats_0,
        'invariant_edge_feats': invariant_edge_feats,
        'edge_index': edge_index,
        'W1': W1, 'b1': b1, 'W2': W2, 'b2': b2, 'W3': W3,
    }


def reference(node_feats_0, invariant_edge_feats, edge_index, W1, b1, W2, b2, W3):
    # ConvSE3 with fiber_in={0:16}, fiber_out={0:16}, max_degree=0 -> FULL fused path.
    src = edge_index[0]
    dst = edge_index[1]
    # gather source node features per edge: [E, C_IN, 1]
    feats = jnp.take(node_feats_0, src, axis=0)
    # RadialProfile: MLP on invariant edge features -> radial weights [E, C_OUT, C_IN*NUM_FREQ]
    h = jax.nn.relu(invariant_edge_feats @ W1 + b1)
    h = jax.nn.relu(h @ W2 + b2)
    radial_weights = (h @ W3).reshape(-1, C_OUT, C_IN * NUM_FREQ)
    # basis is None for degree (0,0): out = radial_weights @ features -> [E, C_OUT, 1]
    tmp = radial_weights @ feats
    # pool=True: sum incoming edge features per destination node (dgl copy_e_sum)
    out = jax.ops.segment_sum(tmp, dst, num_segments=N_NODES)
    return out

if __name__ == "__main__":
    import jax
    _d = setup_inputs()
    print(jax.jit(kernel)(*tuple(_d.values())))

</pallas_src>

<mosaic_0001>
#map = affine_map<(d0, d1) -> (0, 0)>
#map1 = affine_map<(d0, d1) -> (0, 0, 0)>
module attributes {stable_mosaic.version = 14 : i64} {
  func.func @_sc_gather(%arg0: i32, %arg1: i32, %arg2: memref<50000x16xf32, #tpu.memory_space<hbm>>, %arg3: memref<32x196x128xi32, #tpu.memory_space<hbm>>, %arg4: memref<802816x16xf32, #tpu.memory_space<hbm>>, %arg5: memref<196x128xi32, #tpu.memory_space<vmem>>, %arg6: memref<1792x16xf32, #tpu.memory_space<vmem>>, %arg7: memref<!tpu.dma_semaphore, #tpu.memory_space<semaphore_mem>>) attributes {dimension_semantics = [#tpu.dimension_semantics<core_parallel>, #tpu.dimension_semantics<subcore_parallel>], iteration_bounds = array<i64: 2, 16>, scalar_prefetch = 0 : i64, scratch_operands = 3 : i64, tpu.core_type = #tpu.core_type<sc_vector_subcore>, window_params = [{transform_indices = #map}, {transform_indices = #map1}, {transform_indices = #map}]} {
    %mul3A = arith.constant 2 : i32
    %mul3A_0 = arith.muli %arg1, %mul3A : i32
    %add3A = arith.addi %mul3A_0, %arg0 : i32
    "tpu.region"() ({
      %run_scoped3A = tpu.sem_alloc : memref<!tpu.dma_semaphore, #tpu.memory_space<semaphore_mem>>
      %dma_start3A = arith.constant 0 : i32
      %dma_start3A_6 = arith.constant 0 : i32
      %dma_start3A_7 = tpu.memref_slice %arg3[%add3A, %dma_start3A, %dma_start3A_6] : memref<32x196x128xi32, #tpu.memory_space<hbm>> -> memref<1x196x128xi32, #tpu.memory_space<hbm>>
      %dma_start3A_8 = tpu.memref_squeeze %dma_start3A_7 : memref<1x196x128xi32, #tpu.memory_space<hbm>> -> memref<196x128xi32, #tpu.memory_space<hbm>>
      %dma_start3A_9 = arith.constant 0 : i32
      %dma_start3A_10 = arith.constant 0 : i32
      %dma_start3A_11 = tpu.memref_slice %arg3[%add3A, %dma_start3A_9, %dma_start3A_10] : memref<32x196x128xi32, #tpu.memory_space<hbm>> -> memref<1x196x128xi32, #tpu.memory_space<hbm>>
      %dma_start3A_12 = tpu.memref_squeeze %dma_start3A_11 : memref<1x196x128xi32, #tpu.memory_space<hbm>> -> memref<196x128xi32, #tpu.memory_space<hbm>>
      tpu.enqueue_dma source(%dma_start3A_12 : memref<196x128xi32, #tpu.memory_space<hbm>>) target(%arg5 : memref<196x128xi32, #tpu.memory_space<vmem>>) target_semaphore(%run_scoped3A : memref<!tpu.dma_semaphore, #tpu.memory_space<semaphore_mem>>)
      %dma_wait3A = arith.constant 0 : i32
      %dma_wait3A_13 = arith.constant 0 : i32
      %dma_wait3A_14 = tpu.memref_slice %arg3[%add3A, %dma_wait3A, %dma_wait3A_13] : memref<32x196x128xi32, #tpu.memory_space<hbm>> -> memref<1x196x128xi32, #tpu.memory_space<hbm>>
      %dma_wait3A_15 = tpu.memref_squeeze %dma_wait3A_14 : memref<1x196x128xi32, #tpu.memory_space<hbm>> -> memref<196x128xi32, #tpu.memory_space<hbm>>
      %dma_wait3A_16 = arith.constant 0 : i32
      %dma_wait3A_17 = arith.constant 0 : i32
      %dma_wait3A_18 = tpu.memref_slice %arg3[%add3A, %dma_wait3A_16, %dma_wait3A_17] : memref<32x196x128xi32, #tpu.memory_space<hbm>> -> memref<1x196x128xi32, #tpu.memory_space<hbm>>
      %dma_wait3A_19 = tpu.memref_squeeze %dma_wait3A_18 : memref<1x196x128xi32, #tpu.memory_space<hbm>> -> memref<196x128xi32, #tpu.memory_space<hbm>>
      tpu.wait_dma2 semaphore(%run_scoped3A : memref<!tpu.dma_semaphore, #tpu.memory_space<semaphore_mem>>) src(%dma_wait3A_19 : memref<196x128xi32, #tpu.memory_space<hbm>>) dst(%arg5 : memref<196x128xi32, #tpu.memory_space<vmem>>)
      tpu.yield
    }) : () -> ()
    %scan3A = arith.constant 0 : i32
    %scan3A_1 = arith.constant 0 : i32
    %scan3A_2 = arith.constant 14 : i32
    %scan3A_3 = arith.addi %scan3A_1, %scan3A_2 : i32
    %scan3A_4 = arith.constant 1 : i32
    scf.for %scan3A_6 = %scan3A_1 to %scan3A_3 step %scan3A_4  : i32 {
      %mul3A_7 = arith.constant 14 : i32
      %mul3A_8 = arith.muli %scan3A_6, %mul3A_7 : i32
      %add3A_9 = arith.constant 0 : i32
      %add3A_10 = arith.addi %mul3A_8, %add3A_9 : i32
      %dma_start3A = arith.constant 0 : i32
      %dma_start3A_11 = arith.constant 0 : i32
      %dma_start3A_12 = tpu.memref_slice %arg6[%dma_start3A, %dma_start3A_11] : memref<1792x16xf32, #tpu.memory_space<vmem>> -> memref<128x16xf32, #tpu.memory_space<vmem>>
      %dma_start3A_13 = arith.constant 0 : i32
      %dma_start3A_14 = tpu.memref_slice %arg5[%add3A_10, %dma_start3A_13] : memref<196x128xi32, #tpu.memory_space<vmem>> -> memref<1x128xi32, #tpu.memory_space<vmem>>
      %dma_start3A_15 = tpu.memref_squeeze %dma_start3A_14 : memref<1x128xi32, #tpu.memory_space<vmem>> -> memref<128xi32, #tpu.memory_space<vmem>>
      %dma_start3A_16 = arith.constant 0 : i32
      %dma_start3A_17 = arith.constant 0 : i32
      %dma_start3A_18 = tpu.memref_slice %arg2[%dma_start3A_16, %dma_start3A_17] : memref<50000x16xf32, #tpu.memory_space<hbm>> -> memref<50000x16xf32, #tpu.memory_space<hbm>>
      tpu.enqueue_indirect_dma source(%dma_start3A_18 : memref<50000x16xf32, #tpu.memory_space<hbm>>) target(%dma_start3A_12 : memref<128x16xf32, #tpu.memory_space<vmem>>) offsets(%dma_start3A_15 : memref<128xi32, #tpu.memory_space<vmem>>) semaphore(%arg7 : memref<!tpu.dma_semaphore, #tpu.memory_space<semaphore_mem>>)
      %mul3A_19 = arith.constant 14 : i32
      %mul3A_20 = arith.muli %scan3A_6, %mul3A_19 : i32
      %add3A_21 = arith.constant 1 : i32
      %add3A_22 = arith.addi %mul3A_20, %add3A_21 : i32
      %dma_start3A_23 = arith.constant 128 : i32
      %dma_start3A_24 = arith.constant 0 : i32
      %dma_start3A_25 = tpu.memref_slice %arg6[%dma_start3A_23, %dma_start3A_24] : memref<1792x16xf32, #tpu.memory_space<vmem>> -> memref<128x16xf32, #tpu.memory_space<vmem>>
      %dma_start3A_26 = arith.constant 0 : i32
      %dma_start3A_27 = tpu.memref_slice %arg5[%add3A_22, %dma_start3A_26] : memref<196x128xi32, #tpu.memory_space<vmem>> -> memref<1x128xi32, #tpu.memory_space<vmem>>
      %dma_start3A_28 = tpu.memref_squeeze %dma_start3A_27 : memref<1x128xi32, #tpu.memory_space<vmem>> -> memref<128xi32, #tpu.memory_space<vmem>>
      %dma_start3A_29 = arith.constant 0 : i32
      %dma_start3A_30 = arith.constant 0 : i32
      %dma_start3A_31 = tpu.memref_slice %arg2[%dma_start3A_29, %dma_start3A_30] : memref<50000x16xf32, #tpu.memory_space<hbm>> -> memref<50000x16xf32, #tpu.memory_space<hbm>>
      tpu.enqueue_indirect_dma source(%dma_start3A_31 : memref<50000x16xf32, #tpu.memory_space<hbm>>) target(%dma_start3A_25 : memref<128x16xf32, #tpu.memory_space<vmem>>) offsets(%dma_start3A_28 : memref<128xi32, #tpu.memory_space<vmem>>) semaphore(%arg7 : memref<!tpu.dma_semaphore, #tpu.memory_space<semaphore_mem>>)
      %mul3A_32 = arith.constant 14 : i32
      %mul3A_33 = arith.muli %scan3A_6, %mul3A_32 : i32
      %add3A_34 = arith.constant 2 : i32
      %add3A_35 = arith.addi %mul3A_33, %add3A_34 : i32
      %dma_start3A_36 = arith.constant 256 : i32
      %dma_start3A_37 = arith.constant 0 : i32
      %dma_start3A_38 = tpu.memref_slice %arg6[%dma_start3A_36, %dma_start3A_37] : memref<1792x16xf32, #tpu.memory_space<vmem>> -> memref<128x16xf32, #tpu.memory_space<vmem>>
      %dma_start3A_39 = arith.constant 0 : i32
      %dma_start3A_40 = tpu.memref_slice %arg5[%add3A_35, %dma_start3A_39] : memref<196x128xi32, #tpu.memory_space<vmem>> -> memref<1x128xi32, #tpu.memory_space<vmem>>
      %dma_start3A_41 = tpu.memref_squeeze %dma_start3A_40 : memref<1x128xi32, #tpu.memory_space<vmem>> -> memref<128xi32, #tpu.memory_space<vmem>>
      %dma_start3A_42 = arith.constant 0 : i32
      %dma_start3A_43 = arith.constant 0 : i32
      %dma_start3A_44 = tpu.memref_slice %arg2[%dma_start3A_42, %dma_start3A_43] : memref<50000x16xf32, #tpu.memory_space<hbm>> -> memref<50000x16xf32, #tpu.memory_space<hbm>>
      tpu.enqueue_indirect_dma source(%dma_start3A_44 : memref<50000x16xf32, #tpu.memory_space<hbm>>) target(%dma_start3A_38 : memref<128x16xf32, #tpu.memory_space<vmem>>) offsets(%dma_start3A_41 : memref<128xi32, #tpu.memory_space<vmem>>) semaphore(%arg7 : memref<!tpu.dma_semaphore, #tpu.memory_space<semaphore_mem>>)
      %mul3A_45 = arith.constant 14 : i32
      %mul3A_46 = arith.muli %scan3A_6, %mul3A_45 : i32
      %add3A_47 = arith.constant 3 : i32
      %add3A_48 = arith.addi %mul3A_46, %add3A_47 : i32
      %dma_start3A_49 = arith.constant 384 : i32
      %dma_start3A_50 = arith.constant 0 : i32
      %dma_start3A_51 = tpu.memref_slice %arg6[%dma_start3A_49, %dma_start3A_50] : memref<1792x16xf32, #tpu.memory_space<vmem>> -> memref<128x16xf32, #tpu.memory_space<vmem>>
      %dma_start3A_52 = arith.constant 0 : i32
      %dma_start3A_53 = tpu.memref_slice %arg5[%add3A_48, %dma_start3A_52] : memref<196x128xi32, #tpu.memory_space<vmem>> -> memref<1x128xi32, #tpu.memory_space<vmem>>
      %dma_start3A_54 = tpu.memref_squeeze %dma_start3A_53 : memref<1x128xi32, #tpu.memory_space<vmem>> -> memref<128xi32, #tpu.memory_space<vmem>>
      %dma_start3A_55 = arith.constant 0 : i32
      %dma_start3A_56 = arith.constant 0 : i32
      %dma_start3A_57 = tpu.memref_slice %arg2[%dma_start3A_55, %dma_start3A_56] : memref<50000x16xf32, #tpu.memory_space<hbm>> -> memref<50000x16xf32, #tpu.memory_space<hbm>>
      tpu.enqueue_indirect_dma source(%dma_start3A_57 : memref<50000x16xf32, #tpu.memory_space<hbm>>) target(%dma_start3A_51 : memref<128x16xf32, #tpu.memory_space<vmem>>) offsets(%dma_start3A_54 : memref<128xi32, #tpu.memory_space<vmem>>) semaphore(%arg7 : memref<!tpu.dma_semaphore, #tpu.memory_space<semaphore_mem>>)
      %mul3A_58 = arith.constant 14 : i32
      %mul3A_59 = arith.muli %scan3A_6, %mul3A_58 : i32
      %add3A_60 = arith.constant 4 : i32
      %add3A_61 = arith.addi %mul3A_59, %add3A_60 : i32
      %dma_start3A_62 = arith.constant 512 : i32
      %dma_start3A_63 = arith.constant 0 : i32
      %dma_start3A_64 = tpu.memref_slice %arg6[%dma_start3A_62, %dma_start3A_63] : memref<1792x16xf32, #tpu.memory_space<vmem>> -> memref<128x16xf32, #tpu.memory_space<vmem>>
      %dma_start3A_65 = arith.constant 0 : i32
      %dma_start3A_66 = tpu.memref_slice %arg5[%add3A_61, %dma_start3A_65] : memref<196x128xi32, #tpu.memory_space<vmem>> -> memref<1x128xi32, #tpu.memory_space<vmem>>
      %dma_start3A_67 = tpu.memref_squeeze %dma_start3A_66 : memref<1x128xi32, #tpu.memory_space<vmem>> -> memref<128xi32, #tpu.memory_space<vmem>>
      %dma_start3A_68 = arith.constant 0 : i32
      %dma_start3A_69 = arith.constant 0 : i32
      %dma_start3A_70 = tpu.memref_slice %arg2[%dma_start3A_68, %dma_start3A_69] : memref<50000x16xf32, #tpu.memory_space<hbm>> -> memref<50000x16xf32, #tpu.memory_space<hbm>>
      tpu.enqueue_indirect_dma source(%dma_start3A_70 : memref<50000x16xf32, #tpu.memory_space<hbm>>) target(%dma_start3A_64 : memref<128x16xf32, #tpu.memory_space<vmem>>) offsets(%dma_start3A_67 : memref<128xi32, #tpu.memory_space<vmem>>) semaphore(%arg7 : memref<!tpu.dma_semaphore, #tpu.memory_space<semaphore_mem>>)
      %mul3A_71 = arith.constant 14 : i32
      %mul3A_72 = arith.muli %scan3A_6, %mul3A_71 : i32
      %add3A_73 = arith.constant 5 : i32
      %add3A_74 = arith.addi %mul3A_72, %add3A_73 : i32
      %dma_start3A_75 = arith.constant 640 : i32
      %dma_start3A_76 = arith.constant 0 : i32
      %dma_start3A_77 = tpu.memref_slice %arg6[%dma_start3A_75, %dma_start3A_76] : memref<1792x16xf32, #tpu.memory_space<vmem>> -> memref<128x16xf32, #tpu.memory_space<vmem>>
      %dma_start3A_78 = arith.constant 0 : i32
      %dma_start3A_79 = tpu.memref_slice %arg5[%add3A_74, %dma_start3A_78] : memref<196x128xi32, #tpu.memory_space<vmem>> -> memref<1x128xi32, #tpu.memory_space<vmem>>
      %dma_start3A_80 = tpu.memref_squeeze %dma_start3A_79 : memref<1x128xi32, #tpu.memory_space<vmem>> -> memref<128xi32, #tpu.memory_space<vmem>>
      %dma_start3A_81 = arith.constant 0 : i32
      %dma_start3A_82 = arith.constant 0 : i32
      %dma_start3A_83 = tpu.memref_slice %arg2[%dma_start3A_81, %dma_start3A_82] : memref<50000x16xf32, #tpu.memory_space<hbm>> -> memref<50000x16xf32, #tpu.memory_space<hbm>>
      tpu.enqueue_indirect_dma source(%dma_start3A_83 : memref<50000x16xf32, #tpu.memory_space<hbm>>) target(%dma_start3A_77 : memref<128x16xf32, #tpu.memory_space<vmem>>) offsets(%dma_start3A_80 : memref<128xi32, #tpu.memory_space<vmem>>) semaphore(%arg7 : memref<!tpu.dma_semaphore, #tpu.memory_space<semaphore_mem>>)
      %mul3A_84 = arith.constant 14 : i32
      %mul3A_85 = arith.muli %scan3A_6, %mul3A_84 : i32
      %add3A_86 = arith.constant 6 : i32
      %add3A_87 = arith.addi %mul3A_85, %add3A_86 : i32
      %dma_start3A_88 = arith.constant 768 : i32
      %dma_start3A_89 = arith.constant 0 : i32
      %dma_start3A_90 = tpu.memref_slice %arg6[%dma_start3A_88, %dma_start3A_89] : memref<1792x16xf32, #tpu.memory_space<vmem>> -> memref<128x16xf32, #tpu.memory_space<vmem>>
      %dma_start3A_91 = arith.constant 0 : i32
      %dma_start3A_92 = tpu.memref_slice %arg5[%add3A_87, %dma_start3A_91] : memref<196x128xi32, #tpu.memory_space<vmem>> -> memref<1x128xi32, #tpu.memory_space<vmem>>
      %dma_start3A_93 = tpu.memref_squeeze %dma_start3A_92 : memref<1x128xi32, #tpu.memory_space<vmem>> -> memref<128xi32, #tpu.memory_space<vmem>>
      %dma_start3A_94 = arith.constant 0 : i32
      %dma_start3A_95 = arith.constant 0 : i32
      %dma_start3A_96 = tpu.memref_slice %arg2[%dma_start3A_94, %dma_start3A_95] : memref<50000x16xf32, #tpu.memory_space<hbm>> -> memref<50000x16xf32, #tpu.memory_space<hbm>>
      tpu.enqueue_indirect_dma source(%dma_start3A_96 : memref<50000x16xf32, #tpu.memory_space<hbm>>) target(%dma_start3A_90 : memref<128x16xf32, #tpu.memory_space<vmem>>) offsets(%dma_start3A_93 : memref<128xi32, #tpu.memory_space<vmem>>) semaphore(%arg7 : memref<!tpu.dma_semaphore, #tpu.memory_space<semaphore_mem>>)
      %mul3A_97 = arith.constant 14 : i32
      %mul3A_98 = arith.muli %scan3A_6, %mul3A_97 : i32
      %add3A_99 = arith.constant 7 : i32
      %add3A_100 = arith.addi %mul3A_98, %add3A_99 : i32
      %dma_start3A_101 = arith.constant 896 : i32
      %dma_start3A_102 = arith.constant 0 : i32
      %dma_start3A_103 = tpu.memref_slice %arg6[%dma_start3A_101, %dma_start3A_102] : memref<1792x16xf32, #tpu.memory_space<vmem>> -> memref<128x16xf32, #tpu.memory_space<vmem>>
      %dma_start3A_104 = arith.constant 0 : i32
      %dma_start3A_105 = tpu.memref_slice %arg5[%add3A_100, %dma_start3A_104] : memref<196x128xi32, #tpu.memory_space<vmem>> -> memref<1x128xi32, #tpu.memory_space<vmem>>
      %dma_start3A_106 = tpu.memref_squeeze %dma_start3A_105 : memref<1x128xi32, #tpu.memory_space<vmem>> -> memref<128xi32, #tpu.memory_space<vmem>>
      %dma_start3A_107 = arith.constant 0 : i32
      %dma_start3A_108 = arith.constant 0 : i32
      %dma_start3A_109 = tpu.memref_slice %arg2[%dma_start3A_107, %dma_start3A_108] : memref<50000x16xf32, #tpu.memory_space<hbm>> -> memref<50000x16xf32, #tpu.memory_space<hbm>>
      tpu.enqueue_indirect_dma source(%dma_start3A_109 : memref<50000x16xf32, #tpu.memory_space<hbm>>) target(%dma_start3A_103 : memref<128x16xf32, #tpu.memory_space<vmem>>) offsets(%dma_start3A_106 : memref<128xi32, #tpu.memory_space<vmem>>) semaphore(%arg7 : memref<!tpu.dma_semaphore, #tpu.memory_space<semaphore_mem>>)
      %mul3A_110 = arith.constant 14 : i32
      %mul3A_111 = arith.muli %scan3A_6, %mul3A_110 : i32
      %add3A_112 = arith.constant 8 : i32
      %add3A_113 = arith.addi %mul3A_111, %add3A_112 : i32
      %dma_start3A_114 = arith.constant 1024 : i32
      %dma_start3A_115 = arith.constant 0 : i32
      %dma_start3A_116 = tpu.memref_slice %arg6[%dma_start3A_114, %dma_start3A_115] : memref<1792x16xf32, #tpu.memory_space<vmem>> -> memref<128x16xf32, #tpu.memory_space<vmem>>
      %dma_start3A_117 = arith.constant 0 : i32
      %dma_start3A_118 = tpu.memref_slice %arg5[%add3A_113, %dma_start3A_117] : memref<196x128xi32, #tpu.memory_space<vmem>> -> memref<1x128xi32, #tpu.memory_space<vmem>>
      %dma_start3A_119 = tpu.memref_squeeze %dma_start3A_118 : memref<1x128xi32, #tpu.memory_space<vmem>> -> memref<128xi32, #tpu.memory_space<vmem>>
      %dma_start3A_120 = arith.constant 0 : i32
      %dma_start3A_121 = arith.constant 0 : i32
      %dma_start3A_122 = tpu.memref_slice %arg2[%dma_start3A_120, %dma_start3A_121] : memref<50000x16xf32, #tpu.memory_space<hbm>> -> memref<50000x16xf32, #tpu.memory_space<hbm>>
      tpu.enqueue_indirect_dma source(%dma_start3A_122 : memref<50000x16xf32, #tpu.memory_space<hbm>>) target(%dma_start3A_116 : memref<128x16xf32, #tpu.memory_space<vmem>>) offsets(%dma_start3A_119 : memref<128xi32, #tpu.memory_space<vmem>>) semaphore(%arg7 : memref<!tpu.dma_semaphore, #tpu.memory_space<semaphore_mem>>)
      %mul3A_123 = arith.constant 14 : i32
      %mul3A_124 = arith.muli %scan3A_6, %mul3A_123 : i32
      %add3A_125 = arith.constant 9 : i32
      %add3A_126 = arith.addi %mul3A_124, %add3A_125 : i32
      %dma_start3A_127 = arith.constant 1152 : i32
      %dma_start3A_128 = arith.constant 0 : i32
      %dma_start3A_129 = tpu.memref_slice %arg6[%dma_start3A_127, %dma_start3A_128] : memref<1792x16xf32, #tpu.memory_space<vmem>> -> memref<128x16xf32, #tpu.memory_space<vmem>>
      %dma_start3A_130 = arith.constant 0 : i32
      %dma_start3A_131 = tpu.memref_slice %arg5[%add3A_126, %dma_start3A_130] : memref<196x128xi32, #tpu.memory_space<vmem>> -> memref<1x128xi32, #tpu.memory_space<vmem>>
      %dma_start3A_132 = tpu.memref_squeeze %dma_start3A_131 : memref<1x128xi32, #tpu.memory_space<vmem>> -> memref<128xi32, #tpu.memory_space<vmem>>
      %dma_start3A_133 = arith.constant 0 : i32
      %dma_start3A_134 = arith.constant 0 : i32
      %dma_start3A_135 = tpu.memref_slice %arg2[%dma_start3A_133, %dma_start3A_134] : memref<50000x16xf32, #tpu.memory_space<hbm>> -> memref<50000x16xf32, #tpu.memory_space<hbm>>
      tpu.enqueue_indirect_dma source(%dma_start3A_135 : memref<50000x16xf32, #tpu.memory_space<hbm>>) target(%dma_start3A_129 : memref<128x16xf32, #tpu.memory_space<vmem>>) offsets(%dma_start3A_132 : memref<128xi32, #tpu.memory_space<vmem>>) semaphore(%arg7 : memref<!tpu.dma_semaphore, #tpu.memory_space<semaphore_mem>>)
      %mul3A_136 = arith.constant 14 : i32
      %mul3A_137 = arith.muli %scan3A_6, %mul3A_136 : i32
      %add3A_138 = arith.constant 10 : i32
      %add3A_139 = arith.addi %mul3A_137, %add3A_138 : i32
      %dma_start3A_140 = arith.constant 1280 : i32
      %dma_start3A_141 = arith.constant 0 : i32
      %dma_start3A_142 = tpu.memref_slice %arg6[%dma_start3A_140, %dma_start3A_141] : memref<1792x16xf32, #tpu.memory_space<vmem>> -> memref<128x16xf32, #tpu.memory_space<vmem>>
      %dma_start3A_143 = arith.constant 0 : i32
      %dma_start3A_144 = tpu.memref_slice %arg5[%add3A_139, %dma_start3A_143] : memref<196x128xi32, #tpu.memory_space<vmem>> -> memref<1x128xi32, #tpu.memory_space<vmem>>
      %dma_start3A_145 = tpu.memref_squeeze %dma_start3A_144 : memref<1x128xi32, #tpu.memory_space<vmem>> -> memref<128xi32, #tpu.memory_space<vmem>>
      %dma_start3A_146 = arith.constant 0 : i32
      %dma_start3A_147 = arith.constant 0 : i32
      %dma_start3A_148 = tpu.memref_slice %arg2[%dma_start3A_146, %dma_start3A_147] : memref<50000x16xf32, #tpu.memory_space<hbm>> -> memref<50000x16xf32, #tpu.memory_space<hbm>>
      tpu.enqueue_indirect_dma source(%dma_start3A_148 : memref<50000x16xf32, #tpu.memory_space<hbm>>) target(%dma_start3A_142 : memref<128x16xf32, #tpu.memory_space<vmem>>) offsets(%dma_start3A_145 : memref<128xi32, #tpu.memory_space<vmem>>) semaphore(%arg7 : memref<!tpu.dma_semaphore, #tpu.memory_space<semaphore_mem>>)
      %mul3A_149 = arith.constant 14 : i32
      %mul3A_150 = arith.muli %scan3A_6, %mul3A_149 : i32
      %add3A_151 = arith.constant 11 : i32
      %add3A_152 = arith.addi %mul3A_150, %add3A_151 : i32
      %dma_start3A_153 = arith.constant 1408 : i32
      %dma_start3A_154 = arith.constant 0 : i32
      %dma_start3A_155 = tpu.memref_slice %arg6[%dma_start3A_153, %dma_start3A_154] : memref<1792x16xf32, #tpu.memory_space<vmem>> -> memref<128x16xf32, #tpu.memory_space<vmem>>
      %dma_start3A_156 = arith.constant 0 : i32
      %dma_start3A_157 = tpu.memref_slice %arg5[%add3A_152, %dma_start3A_156] : memref<196x128xi32, #tpu.memory_space<vmem>> -> memref<1x128xi32, #tpu.memory_space<vmem>>
      %dma_start3A_158 = tpu.memref_squeeze %dma_start3A_157 : memref<1x128xi32, #tpu.memory_space<vmem>> -> memref<128xi32, #tpu.memory_space<vmem>>
      %dma_start3A_159 = arith.constant 0 : i32
      %dma_start3A_160 = arith.constant 0 : i32
      %dma_start3A_161 = tpu.memref_slice %arg2[%dma_start3A_159, %dma_start3A_160] : memref<50000x16xf32, #tpu.memory_space<hbm>> -> memref<50000x16xf32, #tpu.memory_space<hbm>>
      tpu.enqueue_indirect_dma source(%dma_start3A_161 : memref<50000x16xf32, #tpu.memory_space<hbm>>) target(%dma_start3A_155 : memref<128x16xf32, #tpu.memory_space<vmem>>) offsets(%dma_start3A_158 : memref<128xi32, #tpu.memory_space<vmem>>) semaphore(%arg7 : memref<!tpu.dma_semaphore, #tpu.memory_space<semaphore_mem>>)
      %mul3A_162 = arith.constant 14 : i32
      %mul3A_163 = arith.muli %scan3A_6, %mul3A_162 : i32
      %add3A_164 = arith.constant 12 : i32
      %add3A_165 = arith.addi %mul3A_163, %add3A_164 : i32
      %dma_start3A_166 = arith.constant 1536 : i32
      %dma_start3A_167 = arith.constant 0 : i32
      %dma_start3A_168 = tpu.memref_slice %arg6[%dma_start3A_166, %dma_start3A_167] : memref<1792x16xf32, #tpu.memory_space<vmem>> -> memref<128x16xf32, #tpu.memory_space<vmem>>
      %dma_start3A_169 = arith.constant 0 : i32
      %dma_start3A_170 = tpu.memref_slice %arg5[%add3A_165, %dma_start3A_169] : memref<196x128xi32, #tpu.memory_space<vmem>> -> memref<1x128xi32, #tpu.memory_space<vmem>>
      %dma_start3A_171 = tpu.memref_squeeze %dma_start3A_170 : memref<1x128xi32, #tpu.memory_space<vmem>> -> memref<128xi32, #tpu.memory_space<vmem>>
      %dma_start3A_172 = arith.constant 0 : i32
      %dma_start3A_173 = arith.constant 0 : i32
      %dma_start3A_174 = tpu.memref_slice %arg2[%dma_start3A_172, %dma_start3A_173] : memref<50000x16xf32, #tpu.memory_space<hbm>> -> memref<50000x16xf32, #tpu.memory_space<hbm>>
      tpu.enqueue_indirect_dma source(%dma_start3A_174 : memref<50000x16xf32, #tpu.memory_space<hbm>>) target(%dma_start3A_168 : memref<128x16xf32, #tpu.memory_space<vmem>>) offsets(%dma_start3A_171 : memref<128xi32, #tpu.memory_space<vmem>>) semaphore(%arg7 : memref<!tpu.dma_semaphore, #tpu.memory_space<semaphore_mem>>)
      %mul3A_175 = arith.constant 14 : i32
      %mul3A_176 = arith.muli %scan3A_6, %mul3A_175 : i32
      %add3A_177 = arith.constant 13 : i32
      %add3A_178 = arith.addi %mul3A_176, %add3A_177 : i32
      %dma_start3A_179 = arith.constant 1664 : i32
      %dma_start3A_180 = arith.constant 0 : i32
      %dma_start3A_181 = tpu.memref_slice %arg6[%dma_start3A_179, %dma_start3A_180] : memref<1792x16xf32, #tpu.memory_space<vmem>> -> memref<128x16xf32, #tpu.memory_space<vmem>>
      %dma_start3A_182 = arith.constant 0 : i32
      %dma_start3A_183 = tpu.memref_slice %arg5[%add3A_178, %dma_start3A_182] : memref<196x128xi32, #tpu.memory_space<vmem>> -> memref<1x128xi32, #tpu.memory_space<vmem>>
      %dma_start3A_184 = tpu.memref_squeeze %dma_start3A_183 : memref<1x128xi32, #tpu.memory_space<vmem>> -> memref<128xi32, #tpu.memory_space<vmem>>
      %dma_start3A_185 = arith.constant 0 : i32
      %dma_start3A_186 = arith.constant 0 : i32
      %dma_start3A_187 = tpu.memref_slice %arg2[%dma_start3A_185, %dma_start3A_186] : memref<50000x16xf32, #tpu.memory_space<hbm>> -> memref<50000x16xf32, #tpu.memory_space<hbm>>
      tpu.enqueue_indirect_dma source(%dma_start3A_187 : memref<50000x16xf32, #tpu.memory_space<hbm>>) target(%dma_start3A_181 : memref<128x16xf32, #tpu.memory_space<vmem>>) offsets(%dma_start3A_184 : memref<128xi32, #tpu.memory_space<vmem>>) semaphore(%arg7 : memref<!tpu.dma_semaphore, #tpu.memory_space<semaphore_mem>>)
      %dma_wait3A = arith.constant 0 : i32
      %dma_wait3A_188 = arith.constant 0 : i32
      %dma_wait3A_189 = tpu.memref_slice %arg6[%dma_wait3A, %dma_wait3A_188] : memref<1792x16xf32, #tpu.memory_space<vmem>> -> memref<128x16xf32, #tpu.memory_space<vmem>>
      %dma_wait3A_190 = arith.constant 0 : i32
      %dma_wait3A_191 = tpu.memref_slice %arg5[%add3A_10, %dma_wait3A_190] : memref<196x128xi32, #tpu.memory_space<vmem>> -> memref<1x128xi32, #tpu.memory_space<vmem>>
      %dma_wait3A_192 = tpu.memref_squeeze %dma_wait3A_191 : memref<1x128xi32, #tpu.memory_space<vmem>> -> memref<128xi32, #tpu.memory_space<vmem>>
      %dma_wait3A_193 = arith.constant 0 : i32
      %dma_wait3A_194 = arith.constant 0 : i32
      %dma_wait3A_195 = tpu.memref_slice %arg2[%dma_wait3A_193, %dma_wait3A_194] : memref<50000x16xf32, #tpu.memory_space<hbm>> -> memref<50000x16xf32, #tpu.memory_space<hbm>>
      tpu.wait_indirect_dma semaphore(%arg7 : memref<!tpu.dma_semaphore, #tpu.memory_space<semaphore_mem>>) src(%dma_wait3A_195 : memref<50000x16xf32, #tpu.memory_space<hbm>>) dst(%dma_wait3A_189 : memref<128x16xf32, #tpu.memory_space<vmem>>)
      %dma_wait3A_196 = arith.constant 128 : i32
      %dma_wait3A_197 = arith.constant 0 : i32
      %dma_wait3A_198 = tpu.memref_slice %arg6[%dma_wait3A_196, %dma_wait3A_197] : memref<1792x16xf32, #tpu.memory_space<vmem>> -> memref<128x16xf32, #tpu.memory_space<vmem>>
      %dma_wait3A_199 = arith.constant 0 : i32
      %dma_wait3A_200 = tpu.memref_slice %arg5[%add3A_22, %dma_wait3A_199] : memref<196x128xi32, #tpu.memory_space<vmem>> -> memref<1x128xi32, #tpu.memory_space<vmem>>
      %dma_wait3A_201 = tpu.memref_squeeze %dma_wait3A_200 : memref<1x128xi32, #tpu.memory_space<vmem>> -> memref<128xi32, #tpu.memory_space<vmem>>
      %dma_wait3A_202 = arith.constant 0 : i32
      %dma_wait3A_203 = arith.constant 0 : i32
      %dma_wait3A_204 = tpu.memref_slice %arg2[%dma_wait3A_202, %dma_wait3A_203] : memref<50000x16xf32, #tpu.memory_space<hbm>> -> memref<50000x16xf32, #tpu.memory_space<hbm>>
      tpu.wait_indirect_dma semaphore(%arg7 : memref<!tpu.dma_semaphore, #tpu.memory_space<semaphore_mem>>) src(%dma_wait3A_204 : memref<50000x16xf32, #tpu.memory_space<hbm>>) dst(%dma_wait3A_198 : memref<128x16xf32, #tpu.memory_space<vmem>>)
      %dma_wait3A_205 = arith.constant 256 : i32
      %dma_wait3A_206 = arith.constant 0 : i32
      %dma_wait3A_207 = tpu.memref_slice %arg6[%dma_wait3A_205, %dma_wait3A_206] : memref<1792x16xf32, #tpu.memory_space<vmem>> -> memref<128x16xf32, #tpu.memory_space<vmem>>
      %dma_wait3A_208 = arith.constant 0 : i32
      %dma_wait3A_209 = tpu.memref_slice %arg5[%add3A_35, %dma_wait3A_208] : memref<196x128xi32, #tpu.memory_space<vmem>> -> memref<1x128xi32, #tpu.memory_space<vmem>>
      %dma_wait3A_210 = tpu.memref_squeeze %dma_wait3A_209 : memref<1x128xi32, #tpu.memory_space<vmem>> -> memref<128xi32, #tpu.memory_space<vmem>>
      %dma_wait3A_211 = arith.constant 0 : i32
      %dma_wait3A_212 = arith.constant 0 : i32
      %dma_wait3A_213 = tpu.memref_slice %arg2[%dma_wait3A_211, %dma_wait3A_212] : memref<50000x16xf32, #tpu.memory_space<hbm>> -> memref<50000x16xf32, #tpu.memory_space<hbm>>
      tpu.wait_indirect_dma semaphore(%arg7 : memref<!tpu.dma_semaphore, #tpu.memory_space<semaphore_mem>>) src(%dma_wait3A_213 : memref<50000x16xf32, #tpu.memory_space<hbm>>) dst(%dma_wait3A_207 : memref<128x16xf32, #tpu.memory_space<vmem>>)
      %dma_wait3A_214 = arith.constant 384 : i32
      %dma_wait3A_215 = arith.constant 0 : i32
      %dma_wait3A_216 = tpu.memref_slice %arg6[%dma_wait3A_214, %dma_wait3A_215] : memref<1792x16xf32, #tpu.memory_space<vmem>> -> memref<128x16xf32, #tpu.memory_space<vmem>>
      %dma_wait3A_217 = arith.constant 0 : i32
      %dma_wait3A_218 = tpu.memref_slice %arg5[%add3A_48, %dma_wait3A_217] : memref<196x128xi32, #tpu.memory_space<vmem>> -> memref<1x128xi32, #tpu.memory_space<vmem>>
      %dma_wait3A_219 = tpu.memref_squeeze %dma_wait3A_218 : memref<1x128xi32, #tpu.memory_space<vmem>> -> memref<128xi32, #tpu.memory_space<vmem>>
      %dma_wait3A_220 = arith.constant 0 : i32
      %dma_wait3A_221 = arith.constant 0 : i32
      %dma_wait3A_222 = tpu.memref_slice %arg2[%dma_wait3A_220, %dma_wait3A_221] : memref<50000x16xf32, #tpu.memory_space<hbm>> -> memref<50000x16xf32, #tpu.memory_space<hbm>>
      tpu.wait_indirect_dma semaphore(%arg7 : memref<!tpu.dma_semaphore, #tpu.memory_space<semaphore_mem>>) src(%dma_wait3A_222 : memref<50000x16xf32, #tpu.memory_space<hbm>>) dst(%dma_wait3A_216 : memref<128x16xf32, #tpu.memory_space<vmem>>)
      %dma_wait3A_223 = arith.constant 512 : i32
      %dma_wait3A_224 = arith.constant 0 : i32
      %dma_wait3A_225 = tpu.memref_slice %arg6[%dma_wait3A_223, %dma_wait3A_224] : memref<1792x16xf32, #tpu.memory_space<vmem>> -> memref<128x16xf32, #tpu.memory_space<vmem>>
      %dma_wait3A_226 = arith.constant 0 : i32
      %dma_wait3A_227 = tpu.memref_slice %arg5[%add3A_61, %dma_wait3A_226] : memref<196x128xi32, #tpu.memory_space<vmem>> -> memref<1x128xi32, #tpu.memory_space<vmem>>
      %dma_wait3A_228 = tpu.memref_squeeze %dma_wait3A_227 : memref<1x128xi32, #tpu.memory_space<vmem>> -> memref<128xi32, #tpu.memory_space<vmem>>
      %dma_wait3A_229 = arith.constant 0 : i32
      %dma_wait3A_230 = arith.constant 0 : i32
      %dma_wait3A_231 = tpu.memref_slice %arg2[%dma_wait3A_229, %dma_wait3A_230] : memref<50000x16xf32, #tpu.memory_space<hbm>> -> memref<50000x16xf32, #tpu.memory_space<hbm>>
      tpu.wait_indirect_dma semaphore(%arg7 : memref<!tpu.dma_semaphore, #tpu.memory_space<semaphore_mem>>) src(%dma_wait3A_231 : memref<50000x16xf32, #tpu.memory_space<hbm>>) dst(%dma_wait3A_225 : memref<128x16xf32, #tpu.memory_space<vmem>>)
      %dma_wait3A_232 = arith.constant 640 : i32
      %dma_wait3A_233 = arith.constant 0 : i32
      %dma_wait3A_234 = tpu.memref_slice %arg6[%dma_wait3A_232, %dma_wait3A_233] : memref<1792x16xf32, #tpu.memory_space<vmem>> -> memref<128x16xf32, #tpu.memory_space<vmem>>
      %dma_wait3A_235 = arith.constant 0 : i32
      %dma_wait3A_236 = tpu.memref_slice %arg5[%add3A_74, %dma_wait3A_235] : memref<196x128xi32, #tpu.memory_space<vmem>> -> memref<1x128xi32, #tpu.memory_space<vmem>>
      %dma_wait3A_237 = tpu.memref_squeeze %dma_wait3A_236 : memref<1x128xi32, #tpu.memory_space<vmem>> -> memref<128xi32, #tpu.memory_space<vmem>>
      %dma_wait3A_238 = arith.constant 0 : i32
      %dma_wait3A_239 = arith.constant 0 : i32
      %dma_wait3A_240 = tpu.memref_slice %arg2[%dma_wait3A_238, %dma_wait3A_239] : memref<50000x16xf32, #tpu.memory_space<hbm>> -> memref<50000x16xf32, #tpu.memory_space<hbm>>
      tpu.wait_indirect_dma semaphore(%arg7 : memref<!tpu.dma_semaphore, #tpu.memory_space<semaphore_mem>>) src(%dma_wait3A_240 : memref<50000x16xf32, #tpu.memory_space<hbm>>) dst(%dma_wait3A_234 : memref<128x16xf32, #tpu.memory_space<vmem>>)
      %dma_wait3A_241 = arith.constant 768 : i32
      %dma_wait3A_242 = arith.constant 0 : i32
      %dma_wait3A_243 = tpu.memref_slice %arg6[%dma_wait3A_241, %dma_wait3A_242] : memref<1792x16xf32, #tpu.memory_space<vmem>> -> memref<128x16xf32, #tpu.memory_space<vmem>>
      %dma_wait3A_244 = arith.constant 0 : i32
      %dma_wait3A_245 = tpu.memref_slice %arg5[%add3A_87, %dma_wait3A_244] : memref<196x128xi32, #tpu.memory_space<vmem>> -> memref<1x128xi32, #tpu.memory_space<vmem>>
      %dma_wait3A_246 = tpu.memref_squeeze %dma_wait3A_245 : memref<1x128xi32, #tpu.memory_space<vmem>> -> memref<128xi32, #tpu.memory_space<vmem>>
      %dma_wait3A_247 = arith.constant 0 : i32
      %dma_wait3A_248 = arith.constant 0 : i32
      %dma_wait3A_249 = tpu.memref_slice %arg2[%dma_wait3A_247, %dma_wait3A_248] : memref<50000x16xf32, #tpu.memory_space<hbm>> -> memref<50000x16xf32, #tpu.memory_space<hbm>>
      tpu.wait_indirect_dma semaphore(%arg7 : memref<!tpu.dma_semaphore, #tpu.memory_space<semaphore_mem>>) src(%dma_wait3A_249 : memref<50000x16xf32, #tpu.memory_space<hbm>>) dst(%dma_wait3A_243 : memref<128x16xf32, #tpu.memory_space<vmem>>)
      %dma_wait3A_250 = arith.constant 896 : i32
      %dma_wait3A_251 = arith.constant 0 : i32
      %dma_wait3A_252 = tpu.memref_slice %arg6[%dma_wait3A_250, %dma_wait3A_251] : memref<1792x16xf32, #tpu.memory_space<vmem>> -> memref<128x16xf32, #tpu.memory_space<vmem>>
      %dma_wait3A_253 = arith.constant 0 : i32
      %dma_wait3A_254 = tpu.memref_slice %arg5[%add3A_100, %dma_wait3A_253] : memref<196x128xi32, #tpu.memory_space<vmem>> -> memref<1x128xi32, #tpu.memory_space<vmem>>
      %dma_wait3A_255 = tpu.memref_squeeze %dma_wait3A_254 : memref<1x128xi32, #tpu.memory_space<vmem>> -> memref<128xi32, #tpu.memory_space<vmem>>
      %dma_wait3A_256 = arith.constant 0 : i32
      %dma_wait3A_257 = arith.constant 0 : i32
      %dma_wait3A_258 = tpu.memref_slice %arg2[%dma_wait3A_256, %dma_wait3A_257] : memref<50000x16xf32, #tpu.memory_space<hbm>> -> memref<50000x16xf32, #tpu.memory_space<hbm>>
      tpu.wait_indirect_dma semaphore(%arg7 : memref<!tpu.dma_semaphore, #tpu.memory_space<semaphore_mem>>) src(%dma_wait3A_258 : memref<50000x16xf32, #tpu.memory_space<hbm>>) dst(%dma_wait3A_252 : memref<128x16xf32, #tpu.memory_space<vmem>>)
      %dma_wait3A_259 = arith.constant 1024 : i32
      %dma_wait3A_260 = arith.constant 0 : i32
      %dma_wait3A_261 = tpu.memref_slice %arg6[%dma_wait3A_259, %dma_wait3A_260] : memref<1792x16xf32, #tpu.memory_space<vmem>> -> memref<128x16xf32, #tpu.memory_space<vmem>>
      %dma_wait3A_262 = arith.constant 0 : i32
      %dma_wait3A_263 = tpu.memref_slice %arg5[%add3A_113, %dma_wait3A_262] : memref<196x128xi32, #tpu.memory_space<vmem>> -> memref<1x128xi32, #tpu.memory_space<vmem>>
      %dma_wait3A_264 = tpu.memref_squeeze %dma_wait3A_263 : memref<1x128xi32, #tpu.memory_space<vmem>> -> memref<128xi32, #tpu.memory_space<vmem>>
      %dma_wait3A_265 = arith.constant 0 : i32
      %dma_wait3A_266 = arith.constant 0 : i32
      %dma_wait3A_267 = tpu.memref_slice %arg2[%dma_wait3A_265, %dma_wait3A_266] : memref<50000x16xf32, #tpu.memory_space<hbm>> -> memref<50000x16xf32, #tpu.memory_space<hbm>>
      tpu.wait_indirect_dma semaphore(%arg7 : memref<!tpu.dma_semaphore, #tpu.memory_space<semaphore_mem>>) src(%dma_wait3A_267 : memref<50000x16xf32, #tpu.memory_space<hbm>>) dst(%dma_wait3A_261 : memref<128x16xf32, #tpu.memory_space<vmem>>)
      %dma_wait3A_268 = arith.constant 1152 : i32
      %dma_wait3A_269 = arith.constant 0 : i32
      %dma_wait3A_270 = tpu.memref_slice %arg6[%dma_wait3A_268, %dma_wait3A_269] : memref<1792x16xf32, #tpu.memory_space<vmem>> -> memref<128x16xf32, #tpu.memory_space<vmem>>
      %dma_wait3A_271 = arith.constant 0 : i32
      %dma_wait3A_272 = tpu.memref_slice %arg5[%add3A_126, %dma_wait3A_271] : memref<196x128xi32, #tpu.memory_space<vmem>> -> memref<1x128xi32, #tpu.memory_space<vmem>>
      %dma_wait3A_273 = tpu.memref_squeeze %dma_wait3A_272 : memref<1x128xi32, #tpu.memory_space<vmem>> -> memref<128xi32, #tpu.memory_space<vmem>>
      %dma_wait3A_274 = arith.constant 0 : i32
      %dma_wait3A_275 = arith.constant 0 : i32
      %dma_wait3A_276 = tpu.memref_slice %arg2[%dma_wait3A_274, %dma_wait3A_275] : memref<50000x16xf32, #tpu.memory_space<hbm>> -> memref<50000x16xf32, #tpu.memory_space<hbm>>
      tpu.wait_indirect_dma semaphore(%arg7 : memref<!tpu.dma_semaphore, #tpu.memory_space<semaphore_mem>>) src(%dma_wait3A_276 : memref<50000x16xf32, #tpu.memory_space<hbm>>) dst(%dma_wait3A_270 : memref<128x16xf32, #tpu.memory_space<vmem>>)
      %dma_wait3A_277 = arith.constant 1280 : i32
      %dma_wait3A_278 = arith.constant 0 : i32
      %dma_wait3A_279 = tpu.memref_slice %arg6[%dma_wait3A_277, %dma_wait3A_278] : memref<1792x16xf32, #tpu.memory_space<vmem>> -> memref<128x16xf32, #tpu.memory_space<vmem>>
      %dma_wait3A_280 = arith.constant 0 : i32
      %dma_wait3A_281 = tpu.memref_slice %arg5[%add3A_139, %dma_wait3A_280] : memref<196x128xi32, #tpu.memory_space<vmem>> -> memref<1x128xi32, #tpu.memory_space<vmem>>
      %dma_wait3A_282 = tpu.memref_squeeze %dma_wait3A_281 : memref<1x128xi32, #tpu.memory_space<vmem>> -> memref<128xi32, #tpu.memory_space<vmem>>
      %dma_wait3A_283 = arith.constant 0 : i32
      %dma_wait3A_284 = arith.constant 0 : i32
      %dma_wait3A_285 = tpu.memref_slice %arg2[%dma_wait3A_283, %dma_wait3A_284] : memref<50000x16xf32, #tpu.memory_space<hbm>> -> memref<50000x16xf32, #tpu.memory_space<hbm>>
      tpu.wait_indirect_dma semaphore(%arg7 : memref<!tpu.dma_semaphore, #tpu.memory_space<semaphore_mem>>) src(%dma_wait3A_285 : memref<50000x16xf32, #tpu.memory_space<hbm>>) dst(%dma_wait3A_279 : memref<128x16xf32, #tpu.memory_space<vmem>>)
      %dma_wait3A_286 = arith.constant 1408 : i32
      %dma_wait3A_287 = arith.constant 0 : i32
      %dma_wait3A_288 = tpu.memref_slice %arg6[%dma_wait3A_286, %dma_wait3A_287] : memref<1792x16xf32, #tpu.memory_space<vmem>> -> memref<128x16xf32, #tpu.memory_space<vmem>>
      %dma_wait3A_289 = arith.constant 0 : i32
      %dma_wait3A_290 = tpu.memref_slice %arg5[%add3A_152, %dma_wait3A_289] : memref<196x128xi32, #tpu.memory_space<vmem>> -> memref<1x128xi32, #tpu.memory_space<vmem>>
      %dma_wait3A_291 = tpu.memref_squeeze %dma_wait3A_290 : memref<1x128xi32, #tpu.memory_space<vmem>> -> memref<128xi32, #tpu.memory_space<vmem>>
      %dma_wait3A_292 = arith.constant 0 : i32
      %dma_wait3A_293 = arith.constant 0 : i32
      %dma_wait3A_294 = tpu.memref_slice %arg2[%dma_wait3A_292, %dma_wait3A_293] : memref<50000x16xf32, #tpu.memory_space<hbm>> -> memref<50000x16xf32, #tpu.memory_space<hbm>>
      tpu.wait_indirect_dma semaphore(%arg7 : memref<!tpu.dma_semaphore, #tpu.memory_space<semaphore_mem>>) src(%dma_wait3A_294 : memref<50000x16xf32, #tpu.memory_space<hbm>>) dst(%dma_wait3A_288 : memref<128x16xf32, #tpu.memory_space<vmem>>)
      %dma_wait3A_295 = arith.constant 1536 : i32
      %dma_wait3A_296 = arith.constant 0 : i32
      %dma_wait3A_297 = tpu.memref_slice %arg6[%dma_wait3A_295, %dma_wait3A_296] : memref<1792x16xf32, #tpu.memory_space<vmem>> -> memref<128x16xf32, #tpu.memory_space<vmem>>
      %dma_wait3A_298 = arith.constant 0 : i32
      %dma_wait3A_299 = tpu.memref_slice %arg5[%add3A_165, %dma_wait3A_298] : memref<196x128xi32, #tpu.memory_space<vmem>> -> memref<1x128xi32, #tpu.memory_space<vmem>>
      %dma_wait3A_300 = tpu.memref_squeeze %dma_wait3A_299 : memref<1x128xi32, #tpu.memory_space<vmem>> -> memref<128xi32, #tpu.memory_space<vmem>>
      %dma_wait3A_301 = arith.constant 0 : i32
      %dma_wait3A_302 = arith.constant 0 : i32
      %dma_wait3A_303 = tpu.memref_slice %arg2[%dma_wait3A_301, %dma_wait3A_302] : memref<50000x16xf32, #tpu.memory_space<hbm>> -> memref<50000x16xf32, #tpu.memory_space<hbm>>
      tpu.wait_indirect_dma semaphore(%arg7 : memref<!tpu.dma_semaphore, #tpu.memory_space<semaphore_mem>>) src(%dma_wait3A_303 : memref<50000x16xf32, #tpu.memory_space<hbm>>) dst(%dma_wait3A_297 : memref<128x16xf32, #tpu.memory_space<vmem>>)
      %dma_wait3A_304 = arith.constant 1664 : i32
      %dma_wait3A_305 = arith.constant 0 : i32
      %dma_wait3A_306 = tpu.memref_slice %arg6[%dma_wait3A_304, %dma_wait3A_305] : memref<1792x16xf32, #tpu.memory_space<vmem>> -> memref<128x16xf32, #tpu.memory_space<vmem>>
      %dma_wait3A_307 = arith.constant 0 : i32
      %dma_wait3A_308 = tpu.memref_slice %arg5[%add3A_178, %dma_wait3A_307] : memref<196x128xi32, #tpu.memory_space<vmem>> -> memref<1x128xi32, #tpu.memory_space<vmem>>
      %dma_wait3A_309 = tpu.memref_squeeze %dma_wait3A_308 : memref<1x128xi32, #tpu.memory_space<vmem>> -> memref<128xi32, #tpu.memory_space<vmem>>
      %dma_wait3A_310 = arith.constant 0 : i32
      %dma_wait3A_311 = arith.constant 0 : i32
      %dma_wait3A_312 = tpu.memref_slice %arg2[%dma_wait3A_310, %dma_wait3A_311] : memref<50000x16xf32, #tpu.memory_space<hbm>> -> memref<50000x16xf32, #tpu.memory_space<hbm>>
      tpu.wait_indirect_dma semaphore(%arg7 : memref<!tpu.dma_semaphore, #tpu.memory_space<semaphore_mem>>) src(%dma_wait3A_312 : memref<50000x16xf32, #tpu.memory_space<hbm>>) dst(%dma_wait3A_306 : memref<128x16xf32, #tpu.memory_space<vmem>>)
      %mul3A_313 = arith.constant 25088 : i32
      %mul3A_314 = arith.muli %add3A, %mul3A_313 : i32
      %mul3A_315 = arith.constant 1792 : i32
      %mul3A_316 = arith.muli %scan3A_6, %mul3A_315 : i32
      %add3A_317 = arith.addi %mul3A_314, %mul3A_316 : i32
      "tpu.region"() ({
        %run_scoped3A = tpu.sem_alloc : memref<!tpu.dma_semaphore, #tpu.memory_space<semaphore_mem>>
        %dma_start3A_318 = arith.constant 0 : i32
        %dma_start3A_319 = tpu.memref_slice %arg4[%add3A_317, %dma_start3A_318] : memref<802816x16xf32, #tpu.memory_space<hbm>> -> memref<1792x16xf32, #tpu.memory_space<hbm>>
        %dma_start3A_320 = arith.constant 0 : i32
        %dma_start3A_321 = tpu.memref_slice %arg4[%add3A_317, %dma_start3A_320] : memref<802816x16xf32, #tpu.memory_space<hbm>> -> memref<1792x16xf32, #tpu.memory_space<hbm>>
        tpu.enqueue_dma source(%arg6 : memref<1792x16xf32, #tpu.memory_space<vmem>>) target(%dma_start3A_321 : memref<1792x16xf32, #tpu.memory_space<hbm>>) target_semaphore(%run_scoped3A : memref<!tpu.dma_semaphore, #tpu.memory_space<semaphore_mem>>)
        %dma_wait3A_322 = arith.constant 0 : i32
        %dma_wait3A_323 = tpu.memref_slice %arg4[%add3A_317, %dma_wait3A_322] : memref<802816x16xf32, #tpu.memory_space<hbm>> -> memref<1792x16xf32, #tpu.memory_space<hbm>>
        %dma_wait3A_324 = arith.constant 0 : i32
        %dma_wait3A_325 = tpu.memref_slice %arg4[%add3A_317, %dma_wait3A_324] : memref<802816x16xf32, #tpu.memory_space<hbm>> -> memref<1792x16xf32, #tpu.memory_space<hbm>>
        tpu.wait_dma2 semaphore(%run_scoped3A : memref<!tpu.dma_semaphore, #tpu.memory_space<semaphore_mem>>) src(%arg6 : memref<1792x16xf32, #tpu.memory_space<vmem>>) dst(%dma_wait3A_325 : memref<1792x16xf32, #tpu.memory_space<hbm>>)
        tpu.yield
      }) : () -> ()
    }
    %scan3A_5 = arith.constant 14 : i32
    return
  }
}

#map = affine_map<(d0, d1) -> (0, 0)>
#map1 = affine_map<(d0, d1) -> (0, 0, 0)>
module attributes {stable_mosaic.version = 14 : i64} {
  func.func @_sc_scatter(%arg0: i32, %arg1: i32, %arg2: memref<802816x16xf32, #tpu.memory_space<hbm>>, %arg3: memref<32x196x128xi32, #tpu.memory_space<hbm>>, %arg4: memref<50048x16xf32, #tpu.memory_space<hbm>>, %arg5: memref<2x50048x16xf32, #tpu.memory_space<hbm>>, %arg6: memref<196x128xi32, #tpu.memory_space<vmem>>, %arg7: memref<1792x16xf32, #tpu.memory_space<vmem>>, %arg8: memref<50048x16xf32, #tpu.memory_space<vmem_shared>>) attributes {dimension_semantics = [#tpu.dimension_semantics<core_parallel>, #tpu.dimension_semantics<subcore_parallel>], iteration_bounds = array<i64: 2, 16>, scalar_prefetch = 0 : i64, scratch_operands = 3 : i64, tpu.core_type = #tpu.core_type<sc_vector_subcore>, window_params = [{transform_indices = #map}, {transform_indices = #map1}, {transform_indices = #map}, {transform_indices = #map1}]} {
    %mul3A = arith.constant 2 : i32
    %mul3A_0 = arith.muli %arg1, %mul3A : i32
    %add3A = arith.addi %mul3A_0, %arg0 : i32
    "tpu.region"() ({
      %run_scoped3A = tpu.sem_alloc : memref<!tpu.dma_semaphore, #tpu.memory_space<semaphore_mem>>
      %dma_start3A = arith.constant 0 : i32
      %dma_start3A_13 = arith.constant 0 : i32
      %dma_start3A_14 = tpu.memref_slice %arg3[%add3A, %dma_start3A, %dma_start3A_13] : memref<32x196x128xi32, #tpu.memory_space<hbm>> -> memref<1x196x128xi32, #tpu.memory_space<hbm>>
      %dma_start3A_15 = tpu.memref_squeeze %dma_start3A_14 : memref<1x196x128xi32, #tpu.memory_space<hbm>> -> memref<196x128xi32, #tpu.memory_space<hbm>>
      %dma_start3A_16 = arith.constant 0 : i32
      %dma_start3A_17 = arith.constant 0 : i32
      %dma_start3A_18 = tpu.memref_slice %arg3[%add3A, %dma_start3A_16, %dma_start3A_17] : memref<32x196x128xi32, #tpu.memory_space<hbm>> -> memref<1x196x128xi32, #tpu.memory_space<hbm>>
      %dma_start3A_19 = tpu.memref_squeeze %dma_start3A_18 : memref<1x196x128xi32, #tpu.memory_space<hbm>> -> memref<196x128xi32, #tpu.memory_space<hbm>>
      tpu.enqueue_dma source(%dma_start3A_19 : memref<196x128xi32, #tpu.memory_space<hbm>>) target(%arg6 : memref<196x128xi32, #tpu.memory_space<vmem>>) target_semaphore(%run_scoped3A : memref<!tpu.dma_semaphore, #tpu.memory_space<semaphore_mem>>)
      %dma_wait3A = arith.constant 0 : i32
      %dma_wait3A_20 = arith.constant 0 : i32
      %dma_wait3A_21 = tpu.memref_slice %arg3[%add3A, %dma_wait3A, %dma_wait3A_20] : memref<32x196x128xi32, #tpu.memory_space<hbm>> -> memref<1x196x128xi32, #tpu.memory_space<hbm>>
      %dma_wait3A_22 = tpu.memref_squeeze %dma_wait3A_21 : memref<1x196x128xi32, #tpu.memory_space<hbm>> -> memref<196x128xi32, #tpu.memory_space<hbm>>
      %dma_wait3A_23 = arith.constant 0 : i32
      %dma_wait3A_24 = arith.constant 0 : i32
      %dma_wait3A_25 = tpu.memref_slice %arg3[%add3A, %dma_wait3A_23, %dma_wait3A_24] : memref<32x196x128xi32, #tpu.memory_space<hbm>> -> memref<1x196x128xi32, #tpu.memory_space<hbm>>
      %dma_wait3A_26 = tpu.memref_squeeze %dma_wait3A_25 : memref<1x196x128xi32, #tpu.memory_space<hbm>> -> memref<196x128xi32, #tpu.memory_space<hbm>>
      tpu.wait_dma2 semaphore(%run_scoped3A : memref<!tpu.dma_semaphore, #tpu.memory_space<semaphore_mem>>) src(%dma_wait3A_26 : memref<196x128xi32, #tpu.memory_space<hbm>>) dst(%arg6 : memref<196x128xi32, #tpu.memory_space<vmem>>)
      tpu.yield
    }) : () -> ()
    %eq3A = arith.constant 0 : i32
    %eq3A_1 = arith.cmpi eq, %arg1, %eq3A : i32
    %convert_element_type3A = arith.extui %eq3A_1 : i1 to i32
    %cond3A = arith.constant 0 : i32
    %cond3A_2 = arith.cmpi ne, %convert_element_type3A, %cond3A : i32
    scf.if %cond3A_2 {
      "tpu.region"() ({
        %run_scoped3A = tpu.sem_alloc : memref<!tpu.dma_semaphore, #tpu.memory_space<semaphore_mem>>
        tpu.enqueue_dma source(%arg4 : memref<50048x16xf32, #tpu.memory_space<hbm>>) target(%arg8 : memref<50048x16xf32, #tpu.memory_space<vmem_shared>>) target_semaphore(%run_scoped3A : memref<!tpu.dma_semaphore, #tpu.memory_space<semaphore_mem>>)
        tpu.wait_dma2 semaphore(%run_scoped3A : memref<!tpu.dma_semaphore, #tpu.memory_space<semaphore_mem>>) src(%arg4 : memref<50048x16xf32, #tpu.memory_space<hbm>>) dst(%arg8 : memref<50048x16xf32, #tpu.memory_space<vmem_shared>>)
        tpu.yield
      }) : () -> ()
    } else {
    }
    %barrier3A = arith.constant 0 : index
    tpu.barrier barrier_id(%barrier3A)
    %scan3A = arith.constant 0 : i32
    %scan3A_3 = arith.constant 0 : i32
    %scan3A_4 = arith.constant 14 : i32
    %scan3A_5 = arith.addi %scan3A_3, %scan3A_4 : i32
    %scan3A_6 = arith.constant 1 : i32
    scf.for %scan3A_13 = %scan3A_3 to %scan3A_5 step %scan3A_6  : i32 {
      %mul3A_14 = arith.constant 25088 : i32
      %mul3A_15 = arith.muli %add3A, %mul3A_14 : i32
      %mul3A_16 = arith.constant 1792 : i32
      %mul3A_17 = arith.muli %scan3A_13, %mul3A_16 : i32
      %add3A_18 = arith.addi %mul3A_15, %mul3A_17 : i32
      "tpu.region"() ({
        %run_scoped3A = tpu.sem_alloc : memref<!tpu.dma_semaphore, #tpu.memory_space<semaphore_mem>>
        %dma_start3A = arith.constant 0 : i32
        %dma_start3A_75 = tpu.memref_slice %arg2[%add3A_18, %dma_start3A] : memref<802816x16xf32, #tpu.memory_space<hbm>> -> memref<1792x16xf32, #tpu.memory_space<hbm>>
        %dma_start3A_76 = arith.constant 0 : i32
        %dma_start3A_77 = tpu.memref_slice %arg2[%add3A_18, %dma_start3A_76] : memref<802816x16xf32, #tpu.memory_space<hbm>> -> memref<1792x16xf32, #tpu.memory_space<hbm>>
        tpu.enqueue_dma source(%dma_start3A_77 : memref<1792x16xf32, #tpu.memory_space<hbm>>) target(%arg7 : memref<1792x16xf32, #tpu.memory_space<vmem>>) target_semaphore(%run_scoped3A : memref<!tpu.dma_semaphore, #tpu.memory_space<semaphore_mem>>)
        %dma_wait3A = arith.constant 0 : i32
        %dma_wait3A_78 = tpu.memref_slice %arg2[%add3A_18, %dma_wait3A] : memref<802816x16xf32, #tpu.memory_space<hbm>> -> memref<1792x16xf32, #tpu.memory_space<hbm>>
        %dma_wait3A_79 = arith.constant 0 : i32
        %dma_wait3A_80 = tpu.memref_slice %arg2[%add3A_18, %dma_wait3A_79] : memref<802816x16xf32, #tpu.memory_space<hbm>> -> memref<1792x16xf32, #tpu.memory_space<hbm>>
        tpu.wait_dma2 semaphore(%run_scoped3A : memref<!tpu.dma_semaphore, #tpu.memory_space<semaphore_mem>>) src(%dma_wait3A_80 : memref<1792x16xf32, #tpu.memory_space<hbm>>) dst(%arg7 : memref<1792x16xf32, #tpu.memory_space<vmem>>)
        tpu.yield
      }) : () -> ()
      %mul3A_19 = arith.constant 14 : i32
      %mul3A_20 = arith.muli %scan3A_13, %mul3A_19 : i32
      %add3A_21 = arith.constant 0 : i32
      %add3A_22 = arith.addi %mul3A_20, %add3A_21 : i32
      "tpu.region"() ({
        %run_scoped3A = tpu.sem_alloc : memref<!tpu.dma_semaphore, #tpu.memory_space<semaphore_mem>>
        %dma_start3A = arith.constant 0 : i32
        %dma_start3A_75 = arith.constant 0 : i32
        %dma_start3A_76 = tpu.memref_slice %arg7[%dma_start3A, %dma_start3A_75] : memref<1792x16xf32, #tpu.memory_space<vmem>> -> memref<128x16xf32, #tpu.memory_space<vmem>>
        %dma_start3A_77 = arith.constant 0 : i32
        %dma_start3A_78 = tpu.memref_slice %arg6[%add3A_22, %dma_start3A_77] : memref<196x128xi32, #tpu.memory_space<vmem>> -> memref<1x128xi32, #tpu.memory_space<vmem>>
        %dma_start3A_79 = tpu.memref_squeeze %dma_start3A_78 : memref<1x128xi32, #tpu.memory_space<vmem>> -> memref<128xi32, #tpu.memory_space<vmem>>
        %dma_start3A_80 = arith.constant 0 : i32
        %dma_start3A_81 = arith.constant 0 : i32
        %dma_start3A_82 = tpu.memref_slice %arg8[%dma_start3A_80, %dma_start3A_81] : memref<50048x16xf32, #tpu.memory_space<vmem_shared>> -> memref<50048x16xf32, #tpu.memory_space<vmem_shared>>
        tpu.enqueue_indirect_dma source(%dma_start3A_76 : memref<128x16xf32, #tpu.memory_space<vmem>>) target(%dma_start3A_82 : memref<50048x16xf32, #tpu.memory_space<vmem_shared>>) offsets(%dma_start3A_79 : memref<128xi32, #tpu.memory_space<vmem>>) semaphore(%run_scoped3A : memref<!tpu.dma_semaphore, #tpu.memory_space<semaphore_mem>>) {add = true}
        %dma_wait3A = arith.constant 0 : i32
        %dma_wait3A_83 = arith.constant 0 : i32
        %dma_wait3A_84 = tpu.memref_slice %arg7[%dma_wait3A, %dma_wait3A_83] : memref<1792x16xf32, #tpu.memory_space<vmem>> -> memref<128x16xf32, #tpu.memory_space<vmem>>
        %dma_wait3A_85 = arith.constant 0 : i32
        %dma_wait3A_86 = tpu.memref_slice %arg6[%add3A_22, %dma_wait3A_85] : memref<196x128xi32, #tpu.memory_space<vmem>> -> memref<1x128xi32, #tpu.memory_space<vmem>>
        %dma_wait3A_87 = tpu.memref_squeeze %dma_wait3A_86 : memref<1x128xi32, #tpu.memory_space<vmem>> -> memref<128xi32, #tpu.memory_space<vmem>>
        %dma_wait3A_88 = arith.constant 0 : i32
        %dma_wait3A_89 = arith.constant 0 : i32
        %dma_wait3A_90 = tpu.memref_slice %arg8[%dma_wait3A_88, %dma_wait3A_89] : memref<50048x16xf32, #tpu.memory_space<vmem_shared>> -> memref<50048x16xf32, #tpu.memory_space<vmem_shared>>
        tpu.wait_indirect_dma semaphore(%run_scoped3A : memref<!tpu.dma_semaphore, #tpu.memory_space<semaphore_mem>>) src(%dma_wait3A_84 : memref<128x16xf32, #tpu.memory_space<vmem>>) dst(%dma_wait3A_90 : memref<50048x16xf32, #tpu.memory_space<vmem_shared>>)
        tpu.yield
      }) : () -> ()
      %mul3A_23 = arith.constant 14 : i32
      %mul3A_24 = arith.muli %scan3A_13, %mul3A_23 : i32
      %add3A_25 = arith.constant 1 : i32
      %add3A_26 = arith.addi %mul3A_24, %add3A_25 : i32
      "tpu.region"() ({
        %run_scoped3A = tpu.sem_alloc : memref<!tpu.dma_semaphore, #tpu.memory_space<semaphore_mem>>
        %dma_start3A = arith.constant 128 : i32
        %dma_start3A_75 = arith.constant 0 : i32
        %dma_start3A_76 = tpu.memref_slice %arg7[%dma_start3A, %dma_start3A_75] : memref<1792x16xf32, #tpu.memory_space<vmem>> -> memref<128x16xf32, #tpu.memory_space<vmem>>
        %dma_start3A_77 = arith.constant 0 : i32
        %dma_start3A_78 = tpu.memref_slice %arg6[%add3A_26, %dma_start3A_77] : memref<196x128xi32, #tpu.memory_space<vmem>> -> memref<1x128xi32, #tpu.memory_space<vmem>>
        %dma_start3A_79 = tpu.memref_squeeze %dma_start3A_78 : memref<1x128xi32, #tpu.memory_space<vmem>> -> memref<128xi32, #tpu.memory_space<vmem>>
        %dma_start3A_80 = arith.constant 0 : i32
        %dma_start3A_81 = arith.constant 0 : i32
        %dma_start3A_82 = tpu.memref_slice %arg8[%dma_start3A_80, %dma_start3A_81] : memref<50048x16xf32, #tpu.memory_space<vmem_shared>> -> memref<50048x16xf32, #tpu.memory_space<vmem_shared>>
        tpu.enqueue_indirect_dma source(%dma_start3A_76 : memref<128x16xf32, #tpu.memory_space<vmem>>) target(%dma_start3A_82 : memref<50048x16xf32, #tpu.memory_space<vmem_shared>>) offsets(%dma_start3A_79 : memref<128xi32, #tpu.memory_space<vmem>>) semaphore(%run_scoped3A : memref<!tpu.dma_semaphore, #tpu.memory_space<semaphore_mem>>) {add = true}
        %dma_wait3A = arith.constant 128 : i32
        %dma_wait3A_83 = arith.constant 0 : i32
        %dma_wait3A_84 = tpu.memref_slice %arg7[%dma_wait3A, %dma_wait3A_83] : memref<1792x16xf32, #tpu.memory_space<vmem>> -> memref<128x16xf32, #tpu.memory_space<vmem>>
        %dma_wait3A_85 = arith.constant 0 : i32
        %dma_wait3A_86 = tpu.memref_slice %arg6[%add3A_26, %dma_wait3A_85] : memref<196x128xi32, #tpu.memory_space<vmem>> -> memref<1x128xi32, #tpu.memory_space<vmem>>
        %dma_wait3A_87 = tpu.memref_squeeze %dma_wait3A_86 : memref<1x128xi32, #tpu.memory_space<vmem>> -> memref<128xi32, #tpu.memory_space<vmem>>
        %dma_wait3A_88 = arith.constant 0 : i32
        %dma_wait3A_89 = arith.constant 0 : i32
        %dma_wait3A_90 = tpu.memref_slice %arg8[%dma_wait3A_88, %dma_wait3A_89] : memref<50048x16xf32, #tpu.memory_space<vmem_shared>> -> memref<50048x16xf32, #tpu.memory_space<vmem_shared>>
        tpu.wait_indirect_dma semaphore(%run_scoped3A : memref<!tpu.dma_semaphore, #tpu.memory_space<semaphore_mem>>) src(%dma_wait3A_84 : memref<128x16xf32, #tpu.memory_space<vmem>>) dst(%dma_wait3A_90 : memref<50048x16xf32, #tpu.memory_space<vmem_shared>>)
        tpu.yield
      }) : () -> ()
      %mul3A_27 = arith.constant 14 : i32
      %mul3A_28 = arith.muli %scan3A_13, %mul3A_27 : i32
      %add3A_29 = arith.constant 2 : i32
      %add3A_30 = arith.addi %mul3A_28, %add3A_29 : i32
      "tpu.region"() ({
        %run_scoped3A = tpu.sem_alloc : memref<!tpu.dma_semaphore, #tpu.memory_space<semaphore_mem>>
        %dma_start3A = arith.constant 256 : i32
        %dma_start3A_75 = arith.constant 0 : i32
        %dma_start3A_76 = tpu.memref_slice %arg7[%dma_start3A, %dma_start3A_75] : memref<1792x16xf32, #tpu.memory_space<vmem>> -> memref<128x16xf32, #tpu.memory_space<vmem>>
        %dma_start3A_77 = arith.constant 0 : i32
        %dma_start3A_78 = tpu.memref_slice %arg6[%add3A_30, %dma_start3A_77] : memref<196x128xi32, #tpu.memory_space<vmem>> -> memref<1x128xi32, #tpu.memory_space<vmem>>
        %dma_start3A_79 = tpu.memref_squeeze %dma_start3A_78 : memref<1x128xi32, #tpu.memory_space<vmem>> -> memref<128xi32, #tpu.memory_space<vmem>>
        %dma_start3A_80 = arith.constant 0 : i32
        %dma_start3A_81 = arith.constant 0 : i32
        %dma_start3A_82 = tpu.memref_slice %arg8[%dma_start3A_80, %dma_start3A_81] : memref<50048x16xf32, #tpu.memory_space<vmem_shared>> -> memref<50048x16xf32, #tpu.memory_space<vmem_shared>>
        tpu.enqueue_indirect_dma source(%dma_start3A_76 : memref<128x16xf32, #tpu.memory_space<vmem>>) target(%dma_start3A_82 : memref<50048x16xf32, #tpu.memory_space<vmem_shared>>) offsets(%dma_start3A_79 : memref<128xi32, #tpu.memory_space<vmem>>) semaphore(%run_scoped3A : memref<!tpu.dma_semaphore, #tpu.memory_space<semaphore_mem>>) {add = true}
        %dma_wait3A = arith.constant 256 : i32
        %dma_wait3A_83 = arith.constant 0 : i32
        %dma_wait3A_84 = tpu.memref_slice %arg7[%dma_wait3A, %dma_wait3A_83] : memref<1792x16xf32, #tpu.memory_space<vmem>> -> memref<128x16xf32, #tpu.memory_space<vmem>>
        %dma_wait3A_85 = arith.constant 0 : i32
        %dma_wait3A_86 = tpu.memref_slice %arg6[%add3A_30, %dma_wait3A_85] : memref<196x128xi32, #tpu.memory_space<vmem>> -> memref<1x128xi32, #tpu.memory_space<vmem>>
        %dma_wait3A_87 = tpu.memref_squeeze %dma_wait3A_86 : memref<1x128xi32, #tpu.memory_space<vmem>> -> memref<128xi32, #tpu.memory_space<vmem>>
        %dma_wait3A_88 = arith.constant 0 : i32
        %dma_wait3A_89 = arith.constant 0 : i32
        %dma_wait3A_90 = tpu.memref_slice %arg8[%dma_wait3A_88, %dma_wait3A_89] : memref<50048x16xf32, #tpu.memory_space<vmem_shared>> -> memref<50048x16xf32, #tpu.memory_space<vmem_shared>>
        tpu.wait_indirect_dma semaphore(%run_scoped3A : memref<!tpu.dma_semaphore, #tpu.memory_space<semaphore_mem>>) src(%dma_wait3A_84 : memref<128x16xf32, #tpu.memory_space<vmem>>) dst(%dma_wait3A_90 : memref<50048x16xf32, #tpu.memory_space<vmem_shared>>)
        tpu.yield
      }) : () -> ()
      %mul3A_31 = arith.constant 14 : i32
      %mul3A_32 = arith.muli %scan3A_13, %mul3A_31 : i32
      %add3A_33 = arith.constant 3 : i32
      %add3A_34 = arith.addi %mul3A_32, %add3A_33 : i32
      "tpu.region"() ({
        %run_scoped3A = tpu.sem_alloc : memref<!tpu.dma_semaphore, #tpu.memory_space<semaphore_mem>>
        %dma_start3A = arith.constant 384 : i32
        %dma_start3A_75 = arith.constant 0 : i32
        %dma_start3A_76 = tpu.memref_slice %arg7[%dma_start3A, %dma_start3A_75] : memref<1792x16xf32, #tpu.memory_space<vmem>> -> memref<128x16xf32, #tpu.memory_space<vmem>>
        %dma_start3A_77 = arith.constant 0 : i32
        %dma_start3A_78 = tpu.memref_slice %arg6[%add3A_34, %dma_start3A_77] : memref<196x128xi32, #tpu.memory_space<vmem>> -> memref<1x128xi32, #tpu.memory_space<vmem>>
        %dma_start3A_79 = tpu.memref_squeeze %dma_start3A_78 : memref<1x128xi32, #tpu.memory_space<vmem>> -> memref<128xi32, #tpu.memory_space<vmem>>
        %dma_start3A_80 = arith.constant 0 : i32
        %dma_start3A_81 = arith.constant 0 : i32
        %dma_start3A_82 = tpu.memref_slice %arg8[%dma_start3A_80, %dma_start3A_81] : memref<50048x16xf32, #tpu.memory_space<vmem_shared>> -> memref<50048x16xf32, #tpu.memory_space<vmem_shared>>
        tpu.enqueue_indirect_dma source(%dma_start3A_76 : memref<128x16xf32, #tpu.memory_space<vmem>>) target(%dma_start3A_82 : memref<50048x16xf32, #tpu.memory_space<vmem_shared>>) offsets(%dma_start3A_79 : memref<128xi32, #tpu.memory_space<vmem>>) semaphore(%run_scoped3A : memref<!tpu.dma_semaphore, #tpu.memory_space<semaphore_mem>>) {add = true}
        %dma_wait3A = arith.constant 384 : i32
        %dma_wait3A_83 = arith.constant 0 : i32
        %dma_wait3A_84 = tpu.memref_slice %arg7[%dma_wait3A, %dma_wait3A_83] : memref<1792x16xf32, #tpu.memory_space<vmem>> -> memref<128x16xf32, #tpu.memory_space<vmem>>
        %dma_wait3A_85 = arith.constant 0 : i32
        %dma_wait3A_86 = tpu.memref_slice %arg6[%add3A_34, %dma_wait3A_85] : memref<196x128xi32, #tpu.memory_space<vmem>> -> memref<1x128xi32, #tpu.memory_space<vmem>>
        %dma_wait3A_87 = tpu.memref_squeeze %dma_wait3A_86 : memref<1x128xi32, #tpu.memory_space<vmem>> -> memref<128xi32, #tpu.memory_space<vmem>>
        %dma_wait3A_88 = arith.constant 0 : i32
        %dma_wait3A_89 = arith.constant 0 : i32
        %dma_wait3A_90 = tpu.memref_slice %arg8[%dma_wait3A_88, %dma_wait3A_89] : memref<50048x16xf32, #tpu.memory_space<vmem_shared>> -> memref<50048x16xf32, #tpu.memory_space<vmem_shared>>
        tpu.wait_indirect_dma semaphore(%run_scoped3A : memref<!tpu.dma_semaphore, #tpu.memory_space<semaphore_mem>>) src(%dma_wait3A_84 : memref<128x16xf32, #tpu.memory_space<vmem>>) dst(%dma_wait3A_90 : memref<50048x16xf32, #tpu.memory_space<vmem_shared>>)
        tpu.yield
      }) : () -> ()
      %mul3A_35 = arith.constant 14 : i32
      %mul3A_36 = arith.muli %scan3A_13, %mul3A_35 : i32
      %add3A_37 = arith.constant 4 : i32
      %add3A_38 = arith.addi %mul3A_36, %add3A_37 : i32
      "tpu.region"() ({
        %run_scoped3A = tpu.sem_alloc : memref<!tpu.dma_semaphore, #tpu.memory_space<semaphore_mem>>
        %dma_start3A = arith.constant 512 : i32
        %dma_start3A_75 = arith.constant 0 : i32
        %dma_start3A_76 = tpu.memref_slice %arg7[%dma_start3A, %dma_start3A_75] : memref<1792x16xf32, #tpu.memory_space<vmem>> -> memref<128x16xf32, #tpu.memory_space<vmem>>
        %dma_start3A_77 = arith.constant 0 : i32
        %dma_start3A_78 = tpu.memref_slice %arg6[%add3A_38, %dma_start3A_77] : memref<196x128xi32, #tpu.memory_space<vmem>> -> memref<1x128xi32, #tpu.memory_space<vmem>>
        %dma_start3A_79 = tpu.memref_squeeze %dma_start3A_78 : memref<1x128xi32, #tpu.memory_space<vmem>> -> memref<128xi32, #tpu.memory_space<vmem>>
        %dma_start3A_80 = arith.constant 0 : i32
        %dma_start3A_81 = arith.constant 0 : i32
        %dma_start3A_82 = tpu.memref_slice %arg8[%dma_start3A_80, %dma_start3A_81] : memref<50048x16xf32, #tpu.memory_space<vmem_shared>> -> memref<50048x16xf32, #tpu.memory_space<vmem_shared>>
        tpu.enqueue_indirect_dma source(%dma_start3A_76 : memref<128x16xf32, #tpu.memory_space<vmem>>) target(%dma_start3A_82 : memref<50048x16xf32, #tpu.memory_space<vmem_shared>>) offsets(%dma_start3A_79 : memref<128xi32, #tpu.memory_space<vmem>>) semaphore(%run_scoped3A : memref<!tpu.dma_semaphore, #tpu.memory_space<semaphore_mem>>) {add = true}
        %dma_wait3A = arith.constant 512 : i32
        %dma_wait3A_83 = arith.constant 0 : i32
        %dma_wait3A_84 = tpu.memref_slice %arg7[%dma_wait3A, %dma_wait3A_83] : memref<1792x16xf32, #tpu.memory_space<vmem>> -> memref<128x16xf32, #tpu.memory_space<vmem>>
        %dma_wait3A_85 = arith.constant 0 : i32
        %dma_wait3A_86 = tpu.memref_slice %arg6[%add3A_38, %dma_wait3A_85] : memref<196x128xi32, #tpu.memory_space<vmem>> -> memref<1x128xi32, #tpu.memory_space<vmem>>
        %dma_wait3A_87 = tpu.memref_squeeze %dma_wait3A_86 : memref<1x128xi32, #tpu.memory_space<vmem>> -> memref<128xi32, #tpu.memory_space<vmem>>
        %dma_wait3A_88 = arith.constant 0 : i32
        %dma_wait3A_89 = arith.constant 0 : i32
        %dma_wait3A_90 = tpu.memref_slice %arg8[%dma_wait3A_88, %dma_wait3A_89] : memref<50048x16xf32, #tpu.memory_space<vmem_shared>> -> memref<50048x16xf32, #tpu.memory_space<vmem_shared>>
        tpu.wait_indirect_dma semaphore(%run_scoped3A : memref<!tpu.dma_semaphore, #tpu.memory_space<semaphore_mem>>) src(%dma_wait3A_84 : memref<128x16xf32, #tpu.memory_space<vmem>>) dst(%dma_wait3A_90 : memref<50048x16xf32, #tpu.memory_space<vmem_shared>>)
        tpu.yield
      }) : () -> ()
      %mul3A_39 = arith.constant 14 : i32
      %mul3A_40 = arith.muli %scan3A_13, %mul3A_39 : i32
      %add3A_41 = arith.constant 5 : i32
      %add3A_42 = arith.addi %mul3A_40, %add3A_41 : i32
      "tpu.region"() ({
        %run_scoped3A = tpu.sem_alloc : memref<!tpu.dma_semaphore, #tpu.memory_space<semaphore_mem>>
        %dma_start3A = arith.constant 640 : i32
        %dma_start3A_75 = arith.constant 0 : i32
        %dma_start3A_76 = tpu.memref_slice %arg7[%dma_start3A, %dma_start3A_75] : memref<1792x16xf32, #tpu.memory_space<vmem>> -> memref<128x16xf32, #tpu.memory_space<vmem>>
        %dma_start3A_77 = arith.constant 0 : i32
        %dma_start3A_78 = tpu.memref_slice %arg6[%add3A_42, %dma_start3A_77] : memref<196x128xi32, #tpu.memory_space<vmem>> -> memref<1x128xi32, #tpu.memory_space<vmem>>
        %dma_start3A_79 = tpu.memref_squeeze %dma_start3A_78 : memref<1x128xi32, #tpu.memory_space<vmem>> -> memref<128xi32, #tpu.memory_space<vmem>>
        %dma_start3A_80 = arith.constant 0 : i32
        %dma_start3A_81 = arith.constant 0 : i32
        %dma_start3A_82 = tpu.memref_slice %arg8[%dma_start3A_80, %dma_start3A_81] : memref<50048x16xf32, #tpu.memory_space<vmem_shared>> -> memref<50048x16xf32, #tpu.memory_space<vmem_shared>>
        tpu.enqueue_indirect_dma source(%dma_start3A_76 : memref<128x16xf32, #tpu.memory_space<vmem>>) target(%dma_start3A_82 : memref<50048x16xf32, #tpu.memory_space<vmem_shared>>) offsets(%dma_start3A_79 : memref<128xi32, #tpu.memory_space<vmem>>) semaphore(%run_scoped3A : memref<!tpu.dma_semaphore, #tpu.memory_space<semaphore_mem>>) {add = true}
        %dma_wait3A = arith.constant 640 : i32
        %dma_wait3A_83 = arith.constant 0 : i32
        %dma_wait3A_84 = tpu.memref_slice %arg7[%dma_wait3A, %dma_wait3A_83] : memref<1792x16xf32, #tpu.memory_space<vmem>> -> memref<128x16xf32, #tpu.memory_space<vmem>>
        %dma_wait3A_85 = arith.constant 0 : i32
        %dma_wait3A_86 = tpu.memref_slice %arg6[%add3A_42, %dma_wait3A_85] : memref<196x128xi32, #tpu.memory_space<vmem>> -> memref<1x128xi32, #tpu.memory_space<vmem>>
        %dma_wait3A_87 = tpu.memref_squeeze %dma_wait3A_86 : memref<1x128xi32, #tpu.memory_space<vmem>> -> memref<128xi32, #tpu.memory_space<vmem>>
        %dma_wait3A_88 = arith.constant 0 : i32
        %dma_wait3A_89 = arith.constant 0 : i32
        %dma_wait3A_90 = tpu.memref_slice %arg8[%dma_wait3A_88, %dma_wait3A_89] : memref<50048x16xf32, #tpu.memory_space<vmem_shared>> -> memref<50048x16xf32, #tpu.memory_space<vmem_shared>>
        tpu.wait_indirect_dma semaphore(%run_scoped3A : memref<!tpu.dma_semaphore, #tpu.memory_space<semaphore_mem>>) src(%dma_wait3A_84 : memref<128x16xf32, #tpu.memory_space<vmem>>) dst(%dma_wait3A_90 : memref<50048x16xf32, #tpu.memory_space<vmem_shared>>)
        tpu.yield
      }) : () -> ()
      %mul3A_43 = arith.constant 14 : i32
      %mul3A_44 = arith.muli %scan3A_13, %mul3A_43 : i32
      %add3A_45 = arith.constant 6 : i32
      %add3A_46 = arith.addi %mul3A_44, %add3A_45 : i32
      "tpu.region"() ({
        %run_scoped3A = tpu.sem_alloc : memref<!tpu.dma_semaphore, #tpu.memory_space<semaphore_mem>>
        %dma_start3A = arith.constant 768 : i32
        %dma_start3A_75 = arith.constant 0 : i32
        %dma_start3A_76 = tpu.memref_slice %arg7[%dma_start3A, %dma_start3A_75] : memref<1792x16xf32, #tpu.memory_space<vmem>> -> memref<128x16xf32, #tpu.memory_space<vmem>>
        %dma_start3A_77 = arith.constant 0 : i32
        %dma_start3A_78 = tpu.memref_slice %arg6[%add3A_46, %dma_start3A_77] : memref<196x128xi32, #tpu.memory_space<vmem>> -> memref<1x128xi32, #tpu.memory_space<vmem>>
        %dma_start3A_79 = tpu.memref_squeeze %dma_start3A_78 : memref<1x128xi32, #tpu.memory_space<vmem>> -> memref<128xi32, #tpu.memory_space<vmem>>
        %dma_start3A_80 = arith.constant 0 : i32
        %dma_start3A_81 = arith.constant 0 : i32
        %dma_start3A_82 = tpu.memref_slice %arg8[%dma_start3A_80, %dma_start3A_81] : memref<50048x16xf32, #tpu.memory_space<vmem_shared>> -> memref<50048x16xf32, #tpu.memory_space<vmem_shared>>
        tpu.enqueue_indirect_dma source(%dma_start3A_76 : memref<128x16xf32, #tpu.memory_space<vmem>>) target(%dma_start3A_82 : memref<50048x16xf32, #tpu.memory_space<vmem_shared>>) offsets(%dma_start3A_79 : memref<128xi32, #tpu.memory_space<vmem>>) semaphore(%run_scoped3A : memref<!tpu.dma_semaphore, #tpu.memory_space<semaphore_mem>>) {add = true}
        %dma_wait3A = arith.constant 768 : i32
        %dma_wait3A_83 = arith.constant 0 : i32
        %dma_wait3A_84 = tpu.memref_slice %arg7[%dma_wait3A, %dma_wait3A_83] : memref<1792x16xf32, #tpu.memory_space<vmem>> -> memref<128x16xf32, #tpu.memory_space<vmem>>
        %dma_wait3A_85 = arith.constant 0 : i32
        %dma_wait3A_86 = tpu.memref_slice %arg6[%add3A_46, %dma_wait3A_85] : memref<196x128xi32, #tpu.memory_space<vmem>> -> memref<1x128xi32, #tpu.memory_space<vmem>>
        %dma_wait3A_87 = tpu.memref_squeeze %dma_wait3A_86 : memref<1x128xi32, #tpu.memory_space<vmem>> -> memref<128xi32, #tpu.memory_space<vmem>>
        %dma_wait3A_88 = arith.constant 0 : i32
        %dma_wait3A_89 = arith.constant 0 : i32
        %dma_wait3A_90 = tpu.memref_slice %arg8[%dma_wait3A_88, %dma_wait3A_89] : memref<50048x16xf32, #tpu.memory_space<vmem_shared>> -> memref<50048x16xf32, #tpu.memory_space<vmem_shared>>
        tpu.wait_indirect_dma semaphore(%run_scoped3A : memref<!tpu.dma_semaphore, #tpu.memory_space<semaphore_mem>>) src(%dma_wait3A_84 : memref<128x16xf32, #tpu.memory_space<vmem>>) dst(%dma_wait3A_90 : memref<50048x16xf32, #tpu.memory_space<vmem_shared>>)
        tpu.yield
      }) : () -> ()
      %mul3A_47 = arith.constant 14 : i32
      %mul3A_48 = arith.muli %scan3A_13, %mul3A_47 : i32
      %add3A_49 = arith.constant 7 : i32
      %add3A_50 = arith.addi %mul3A_48, %add3A_49 : i32
      "tpu.region"() ({
        %run_scoped3A = tpu.sem_alloc : memref<!tpu.dma_semaphore, #tpu.memory_space<semaphore_mem>>
        %dma_start3A = arith.constant 896 : i32
        %dma_start3A_75 = arith.constant 0 : i32
        %dma_start3A_76 = tpu.memref_slice %arg7[%dma_start3A, %dma_start3A_75] : memref<1792x16xf32, #tpu.memory_space<vmem>> -> memref<128x16xf32, #tpu.memory_space<vmem>>
        %dma_start3A_77 = arith.constant 0 : i32
        %dma_start3A_78 = tpu.memref_slice %arg6[%add3A_50, %dma_start3A_77] : memref<196x128xi32, #tpu.memory_space<vmem>> -> memref<1x128xi32, #tpu.memory_space<vmem>>
        %dma_start3A_79 = tpu.memref_squeeze %dma_start3A_78 : memref<1x128xi32, #tpu.memory_space<vmem>> -> memref<128xi32, #tpu.memory_space<vmem>>
        %dma_start3A_80 = arith.constant 0 : i32
        %dma_start3A_81 = arith.constant 0 : i32
        %dma_start3A_82 = tpu.memref_slice %arg8[%dma_start3A_80, %dma_start3A_81] : memref<50048x16xf32, #tpu.memory_space<vmem_shared>> -> memref<50048x16xf32, #tpu.memory_space<vmem_shared>>
        tpu.enqueue_indirect_dma source(%dma_start3A_76 : memref<128x16xf32, #tpu.memory_space<vmem>>) target(%dma_start3A_82 : memref<50048x16xf32, #tpu.memory_space<vmem_shared>>) offsets(%dma_start3A_79 : memref<128xi32, #tpu.memory_space<vmem>>) semaphore(%run_scoped3A : memref<!tpu.dma_semaphore, #tpu.memory_space<semaphore_mem>>) {add = true}
        %dma_wait3A = arith.constant 896 : i32
        %dma_wait3A_83 = arith.constant 0 : i32
        %dma_wait3A_84 = tpu.memref_slice %arg7[%dma_wait3A, %dma_wait3A_83] : memref<1792x16xf32, #tpu.memory_space<vmem>> -> memref<128x16xf32, #tpu.memory_space<vmem>>
        %dma_wait3A_85 = arith.constant 0 : i32
        %dma_wait3A_86 = tpu.memref_slice %arg6[%add3A_50, %dma_wait3A_85] : memref<196x128xi32, #tpu.memory_space<vmem>> -> memref<1x128xi32, #tpu.memory_space<vmem>>
        %dma_wait3A_87 = tpu.memref_squeeze %dma_wait3A_86 : memref<1x128xi32, #tpu.memory_space<vmem>> -> memref<128xi32, #tpu.memory_space<vmem>>
        %dma_wait3A_88 = arith.constant 0 : i32
        %dma_wait3A_89 = arith.constant 0 : i32
        %dma_wait3A_90 = tpu.memref_slice %arg8[%dma_wait3A_88, %dma_wait3A_89] : memref<50048x16xf32, #tpu.memory_space<vmem_shared>> -> memref<50048x16xf32, #tpu.memory_space<vmem_shared>>
        tpu.wait_indirect_dma semaphore(%run_scoped3A : memref<!tpu.dma_semaphore, #tpu.memory_space<semaphore_mem>>) src(%dma_wait3A_84 : memref<128x16xf32, #tpu.memory_space<vmem>>) dst(%dma_wait3A_90 : memref<50048x16xf32, #tpu.memory_space<vmem_shared>>)
        tpu.yield
      }) : () -> ()
      %mul3A_51 = arith.constant 14 : i32
      %mul3A_52 = arith.muli %scan3A_13, %mul3A_51 : i32
      %add3A_53 = arith.constant 8 : i32
      %add3A_54 = arith.addi %mul3A_52, %add3A_53 : i32
      "tpu.region"() ({
        %run_scoped3A = tpu.sem_alloc : memref<!tpu.dma_semaphore, #tpu.memory_space<semaphore_mem>>
        %dma_start3A = arith.constant 1024 : i32
        %dma_start3A_75 = arith.constant 0 : i32
        %dma_start3A_76 = tpu.memref_slice %arg7[%dma_start3A, %dma_start3A_75] : memref<1792x16xf32, #tpu.memory_space<vmem>> -> memref<128x16xf32, #tpu.memory_space<vmem>>
        %dma_start3A_77 = arith.constant 0 : i32
        %dma_start3A_78 = tpu.memref_slice %arg6[%add3A_54, %dma_start3A_77] : memref<196x128xi32, #tpu.memory_space<vmem>> -> memref<1x128xi32, #tpu.memory_space<vmem>>
        %dma_start3A_79 = tpu.memref_squeeze %dma_start3A_78 : memref<1x128xi32, #tpu.memory_space<vmem>> -> memref<128xi32, #tpu.memory_space<vmem>>
        %dma_start3A_80 = arith.constant 0 : i32
        %dma_start3A_81 = arith.constant 0 : i32
        %dma_start3A_82 = tpu.memref_slice %arg8[%dma_start3A_80, %dma_start3A_81] : memref<50048x16xf32, #tpu.memory_space<vmem_shared>> -> memref<50048x16xf32, #tpu.memory_space<vmem_shared>>
        tpu.enqueue_indirect_dma source(%dma_start3A_76 : memref<128x16xf32, #tpu.memory_space<vmem>>) target(%dma_start3A_82 : memref<50048x16xf32, #tpu.memory_space<vmem_shared>>) offsets(%dma_start3A_79 : memref<128xi32, #tpu.memory_space<vmem>>) semaphore(%run_scoped3A : memref<!tpu.dma_semaphore, #tpu.memory_space<semaphore_mem>>) {add = true}
        %dma_wait3A = arith.constant 1024 : i32
        %dma_wait3A_83 = arith.constant 0 : i32
        %dma_wait3A_84 = tpu.memref_slice %arg7[%dma_wait3A, %dma_wait3A_83] : memref<1792x16xf32, #tpu.memory_space<vmem>> -> memref<128x16xf32, #tpu.memory_space<vmem>>
        %dma_wait3A_85 = arith.constant 0 : i32
        %dma_wait3A_86 = tpu.memref_slice %arg6[%add3A_54, %dma_wait3A_85] : memref<196x128xi32, #tpu.memory_space<vmem>> -> memref<1x128xi32, #tpu.memory_space<vmem>>
        %dma_wait3A_87 = tpu.memref_squeeze %dma_wait3A_86 : memref<1x128xi32, #tpu.memory_space<vmem>> -> memref<128xi32, #tpu.memory_space<vmem>>
        %dma_wait3A_88 = arith.constant 0 : i32
        %dma_wait3A_89 = arith.constant 0 : i32
        %dma_wait3A_90 = tpu.memref_slice %arg8[%dma_wait3A_88, %dma_wait3A_89] : memref<50048x16xf32, #tpu.memory_space<vmem_shared>> -> memref<50048x16xf32, #tpu.memory_space<vmem_shared>>
        tpu.wait_indirect_dma semaphore(%run_scoped3A : memref<!tpu.dma_semaphore, #tpu.memory_space<semaphore_mem>>) src(%dma_wait3A_84 : memref<128x16xf32, #tpu.memory_space<vmem>>) dst(%dma_wait3A_90 : memref<50048x16xf32, #tpu.memory_space<vmem_shared>>)
        tpu.yield
      }) : () -> ()
      %mul3A_55 = arith.constant 14 : i32
      %mul3A_56 = arith.muli %scan3A_13, %mul3A_55 : i32
      %add3A_57 = arith.constant 9 : i32
      %add3A_58 = arith.addi %mul3A_56, %add3A_57 : i32
      "tpu.region"() ({
        %run_scoped3A = tpu.sem_alloc : memref<!tpu.dma_semaphore, #tpu.memory_space<semaphore_mem>>
        %dma_start3A = arith.constant 1152 : i32
        %dma_start3A_75 = arith.constant 0 : i32
        %dma_start3A_76 = tpu.memref_slice %arg7[%dma_start3A, %dma_start3A_75] : memref<1792x16xf32, #tpu.memory_space<vmem>> -> memref<128x16xf32, #tpu.memory_space<vmem>>
        %dma_start3A_77 = arith.constant 0 : i32
        %dma_start3A_78 = tpu.memref_slice %arg6[%add3A_58, %dma_start3A_77] : memref<196x128xi32, #tpu.memory_space<vmem>> -> memref<1x128xi32, #tpu.memory_space<vmem>>
        %dma_start3A_79 = tpu.memref_squeeze %dma_start3A_78 : memref<1x128xi32, #tpu.memory_space<vmem>> -> memref<128xi32, #tpu.memory_space<vmem>>
        %dma_start3A_80 = arith.constant 0 : i32
        %dma_start3A_81 = arith.constant 0 : i32
        %dma_start3A_82 = tpu.memref_slice %arg8[%dma_start3A_80, %dma_start3A_81] : memref<50048x16xf32, #tpu.memory_space<vmem_shared>> -> memref<50048x16xf32, #tpu.memory_space<vmem_shared>>
        tpu.enqueue_indirect_dma source(%dma_start3A_76 : memref<128x16xf32, #tpu.memory_space<vmem>>) target(%dma_start3A_82 : memref<50048x16xf32, #tpu.memory_space<vmem_shared>>) offsets(%dma_start3A_79 : memref<128xi32, #tpu.memory_space<vmem>>) semaphore(%run_scoped3A : memref<!tpu.dma_semaphore, #tpu.memory_space<semaphore_mem>>) {add = true}
        %dma_wait3A = arith.constant 1152 : i32
        %dma_wait3A_83 = arith.constant 0 : i32
        %dma_wait3A_84 = tpu.memref_slice %arg7[%dma_wait3A, %dma_wait3A_83] : memref<1792x16xf32, #tpu.memory_space<vmem>> -> memref<128x16xf32, #tpu.memory_space<vmem>>
        %dma_wait3A_85 = arith.constant 0 : i32
        %dma_wait3A_86 = tpu.memref_slice %arg6[%add3A_58, %dma_wait3A_85] : memref<196x128xi32, #tpu.memory_space<vmem>> -> memref<1x128xi32, #tpu.memory_space<vmem>>
        %dma_wait3A_87 = tpu.memref_squeeze %dma_wait3A_86 : memref<1x128xi32, #tpu.memory_space<vmem>> -> memref<128xi32, #tpu.memory_space<vmem>>
        %dma_wait3A_88 = arith.constant 0 : i32
        %dma_wait3A_89 = arith.constant 0 : i32
        %dma_wait3A_90 = tpu.memref_slice %arg8[%dma_wait3A_88, %dma_wait3A_89] : memref<50048x16xf32, #tpu.memory_space<vmem_shared>> -> memref<50048x16xf32, #tpu.memory_space<vmem_shared>>
        tpu.wait_indirect_dma semaphore(%run_scoped3A : memref<!tpu.dma_semaphore, #tpu.memory_space<semaphore_mem>>) src(%dma_wait3A_84 : memref<128x16xf32, #tpu.memory_space<vmem>>) dst(%dma_wait3A_90 : memref<50048x16xf32, #tpu.memory_space<vmem_shared>>)
        tpu.yield
      }) : () -> ()
      %mul3A_59 = arith.constant 14 : i32
      %mul3A_60 = arith.muli %scan3A_13, %mul3A_59 : i32
      %add3A_61 = arith.constant 10 : i32
      %add3A_62 = arith.addi %mul3A_60, %add3A_61 : i32
      "tpu.region"() ({
        %run_scoped3A = tpu.sem_alloc : memref<!tpu.dma_semaphore, #tpu.memory_space<semaphore_mem>>
        %dma_start3A = arith.constant 1280 : i32
        %dma_start3A_75 = arith.constant 0 : i32
        %dma_start3A_76 = tpu.memref_slice %arg7[%dma_start3A, %dma_start3A_75] : memref<1792x16xf32, #tpu.memory_space<vmem>> -> memref<128x16xf32, #tpu.memory_space<vmem>>
        %dma_start3A_77 = arith.constant 0 : i32
        %dma_start3A_78 = tpu.memref_slice %arg6[%add3A_62, %dma_start3A_77] : memref<196x128xi32, #tpu.memory_space<vmem>> -> memref<1x128xi32, #tpu.memory_space<vmem>>
        %dma_start3A_79 = tpu.memref_squeeze %dma_start3A_78 : memref<1x128xi32, #tpu.memory_space<vmem>> -> memref<128xi32, #tpu.memory_space<vmem>>
        %dma_start3A_80 = arith.constant 0 : i32
        %dma_start3A_81 = arith.constant 0 : i32
        %dma_start3A_82 = tpu.memref_slice %arg8[%dma_start3A_80, %dma_start3A_81] : memref<50048x16xf32, #tpu.memory_space<vmem_shared>> -> memref<50048x16xf32, #tpu.memory_space<vmem_shared>>
        tpu.enqueue_indirect_dma source(%dma_start3A_76 : memref<128x16xf32, #tpu.memory_space<vmem>>) target(%dma_start3A_82 : memref<50048x16xf32, #tpu.memory_space<vmem_shared>>) offsets(%dma_start3A_79 : memref<128xi32, #tpu.memory_space<vmem>>) semaphore(%run_scoped3A : memref<!tpu.dma_semaphore, #tpu.memory_space<semaphore_mem>>) {add = true}
        %dma_wait3A = arith.constant 1280 : i32
        %dma_wait3A_83 = arith.constant 0 : i32
        %dma_wait3A_84 = tpu.memref_slice %arg7[%dma_wait3A, %dma_wait3A_83] : memref<1792x16xf32, #tpu.memory_space<vmem>> -> memref<128x16xf32, #tpu.memory_space<vmem>>
        %dma_wait3A_85 = arith.constant 0 : i32
        %dma_wait3A_86 = tpu.memref_slice %arg6[%add3A_62, %dma_wait3A_85] : memref<196x128xi32, #tpu.memory_space<vmem>> -> memref<1x128xi32, #tpu.memory_space<vmem>>
        %dma_wait3A_87 = tpu.memref_squeeze %dma_wait3A_86 : memref<1x128xi32, #tpu.memory_space<vmem>> -> memref<128xi32, #tpu.memory_space<vmem>>
        %dma_wait3A_88 = arith.constant 0 : i32
        %dma_wait3A_89 = arith.constant 0 : i32
        %dma_wait3A_90 = tpu.memref_slice %arg8[%dma_wait3A_88, %dma_wait3A_89] : memref<50048x16xf32, #tpu.memory_space<vmem_shared>> -> memref<50048x16xf32, #tpu.memory_space<vmem_shared>>
        tpu.wait_indirect_dma semaphore(%run_scoped3A : memref<!tpu.dma_semaphore, #tpu.memory_space<semaphore_mem>>) src(%dma_wait3A_84 : memref<128x16xf32, #tpu.memory_space<vmem>>) dst(%dma_wait3A_90 : memref<50048x16xf32, #tpu.memory_space<vmem_shared>>)
        tpu.yield
      }) : () -> ()
      %mul3A_63 = arith.constant 14 : i32
      %mul3A_64 = arith.muli %scan3A_13, %mul3A_63 : i32
      %add3A_65 = arith.constant 11 : i32
      %add3A_66 = arith.addi %mul3A_64, %add3A_65 : i32
      "tpu.region"() ({
        %run_scoped3A = tpu.sem_alloc : memref<!tpu.dma_semaphore, #tpu.memory_space<semaphore_mem>>
        %dma_start3A = arith.constant 1408 : i32
        %dma_start3A_75 = arith.constant 0 : i32
        %dma_start3A_76 = tpu.memref_slice %arg7[%dma_start3A, %dma_start3A_75] : memref<1792x16xf32, #tpu.memory_space<vmem>> -> memref<128x16xf32, #tpu.memory_space<vmem>>
        %dma_start3A_77 = arith.constant 0 : i32
        %dma_start3A_78 = tpu.memref_slice %arg6[%add3A_66, %dma_start3A_77] : memref<196x128xi32, #tpu.memory_space<vmem>> -> memref<1x128xi32, #tpu.memory_space<vmem>>
        %dma_start3A_79 = tpu.memref_squeeze %dma_start3A_78 : memref<1x128xi32, #tpu.memory_space<vmem>> -> memref<128xi32, #tpu.memory_space<vmem>>
        %dma_start3A_80 = arith.constant 0 : i32
        %dma_start3A_81 = arith.constant 0 : i32
        %dma_start3A_82 = tpu.memref_slice %arg8[%dma_start3A_80, %dma_start3A_81] : memref<50048x16xf32, #tpu.memory_space<vmem_shared>> -> memref<50048x16xf32, #tpu.memory_space<vmem_shared>>
        tpu.enqueue_indirect_dma source(%dma_start3A_76 : memref<128x16xf32, #tpu.memory_space<vmem>>) target(%dma_start3A_82 : memref<50048x16xf32, #tpu.memory_space<vmem_shared>>) offsets(%dma_start3A_79 : memref<128xi32, #tpu.memory_space<vmem>>) semaphore(%run_scoped3A : memref<!tpu.dma_semaphore, #tpu.memory_space<semaphore_mem>>) {add = true}
        %dma_wait3A = arith.constant 1408 : i32
        %dma_wait3A_83 = arith.constant 0 : i32
        %dma_wait3A_84 = tpu.memref_slice %arg7[%dma_wait3A, %dma_wait3A_83] : memref<1792x16xf32, #tpu.memory_space<vmem>> -> memref<128x16xf32, #tpu.memory_space<vmem>>
        %dma_wait3A_85 = arith.constant 0 : i32
        %dma_wait3A_86 = tpu.memref_slice %arg6[%add3A_66, %dma_wait3A_85] : memref<196x128xi32, #tpu.memory_space<vmem>> -> memref<1x128xi32, #tpu.memory_space<vmem>>
        %dma_wait3A_87 = tpu.memref_squeeze %dma_wait3A_86 : memref<1x128xi32, #tpu.memory_space<vmem>> -> memref<128xi32, #tpu.memory_space<vmem>>
        %dma_wait3A_88 = arith.constant 0 : i32
        %dma_wait3A_89 = arith.constant 0 : i32
        %dma_wait3A_90 = tpu.memref_slice %arg8[%dma_wait3A_88, %dma_wait3A_89] : memref<50048x16xf32, #tpu.memory_space<vmem_shared>> -> memref<50048x16xf32, #tpu.memory_space<vmem_shared>>
        tpu.wait_indirect_dma semaphore(%run_scoped3A : memref<!tpu.dma_semaphore, #tpu.memory_space<semaphore_mem>>) src(%dma_wait3A_84 : memref<128x16xf32, #tpu.memory_space<vmem>>) dst(%dma_wait3A_90 : memref<50048x16xf32, #tpu.memory_space<vmem_shared>>)
        tpu.yield
      }) : () -> ()
      %mul3A_67 = arith.constant 14 : i32
      %mul3A_68 = arith.muli %scan3A_13, %mul3A_67 : i32
      %add3A_69 = arith.constant 12 : i32
      %add3A_70 = arith.addi %mul3A_68, %add3A_69 : i32
      "tpu.region"() ({
        %run_scoped3A = tpu.sem_alloc : memref<!tpu.dma_semaphore, #tpu.memory_space<semaphore_mem>>
        %dma_start3A = arith.constant 1536 : i32
        %dma_start3A_75 = arith.constant 0 : i32
        %dma_start3A_76 = tpu.memref_slice %arg7[%dma_start3A, %dma_start3A_75] : memref<1792x16xf32, #tpu.memory_space<vmem>> -> memref<128x16xf32, #tpu.memory_space<vmem>>
        %dma_start3A_77 = arith.constant 0 : i32
        %dma_start3A_78 = tpu.memref_slice %arg6[%add3A_70, %dma_start3A_77] : memref<196x128xi32, #tpu.memory_space<vmem>> -> memref<1x128xi32, #tpu.memory_space<vmem>>
        %dma_start3A_79 = tpu.memref_squeeze %dma_start3A_78 : memref<1x128xi32, #tpu.memory_space<vmem>> -> memref<128xi32, #tpu.memory_space<vmem>>
        %dma_start3A_80 = arith.constant 0 : i32
        %dma_start3A_81 = arith.constant 0 : i32
        %dma_start3A_82 = tpu.memref_slice %arg8[%dma_start3A_80, %dma_start3A_81] : memref<50048x16xf32, #tpu.memory_space<vmem_shared>> -> memref<50048x16xf32, #tpu.memory_space<vmem_shared>>
        tpu.enqueue_indirect_dma source(%dma_start3A_76 : memref<128x16xf32, #tpu.memory_space<vmem>>) target(%dma_start3A_82 : memref<50048x16xf32, #tpu.memory_space<vmem_shared>>) offsets(%dma_start3A_79 : memref<128xi32, #tpu.memory_space<vmem>>) semaphore(%run_scoped3A : memref<!tpu.dma_semaphore, #tpu.memory_space<semaphore_mem>>) {add = true}
        %dma_wait3A = arith.constant 1536 : i32
        %dma_wait3A_83 = arith.constant 0 : i32
        %dma_wait3A_84 = tpu.memref_slice %arg7[%dma_wait3A, %dma_wait3A_83] : memref<1792x16xf32, #tpu.memory_space<vmem>> -> memref<128x16xf32, #tpu.memory_space<vmem>>
        %dma_wait3A_85 = arith.constant 0 : i32
        %dma_wait3A_86 = tpu.memref_slice %arg6[%add3A_70, %dma_wait3A_85] : memref<196x128xi32, #tpu.memory_space<vmem>> -> memref<1x128xi32, #tpu.memory_space<vmem>>
        %dma_wait3A_87 = tpu.memref_squeeze %dma_wait3A_86 : memref<1x128xi32, #tpu.memory_space<vmem>> -> memref<128xi32, #tpu.memory_space<vmem>>
        %dma_wait3A_88 = arith.constant 0 : i32
        %dma_wait3A_89 = arith.constant 0 : i32
        %dma_wait3A_90 = tpu.memref_slice %arg8[%dma_wait3A_88, %dma_wait3A_89] : memref<50048x16xf32, #tpu.memory_space<vmem_shared>> -> memref<50048x16xf32, #tpu.memory_space<vmem_shared>>
        tpu.wait_indirect_dma semaphore(%run_scoped3A : memref<!tpu.dma_semaphore, #tpu.memory_space<semaphore_mem>>) src(%dma_wait3A_84 : memref<128x16xf32, #tpu.memory_space<vmem>>) dst(%dma_wait3A_90 : memref<50048x16xf32, #tpu.memory_space<vmem_shared>>)
        tpu.yield
      }) : () -> ()
      %mul3A_71 = arith.constant 14 : i32
      %mul3A_72 = arith.muli %scan3A_13, %mul3A_71 : i32
      %add3A_73 = arith.constant 13 : i32
      %add3A_74 = arith.addi %mul3A_72, %add3A_73 : i32
      "tpu.region"() ({
        %run_scoped3A = tpu.sem_alloc : memref<!tpu.dma_semaphore, #tpu.memory_space<semaphore_mem>>
        %dma_start3A = arith.constant 1664 : i32
        %dma_start3A_75 = arith.constant 0 : i32
        %dma_start3A_76 = tpu.memref_slice %arg7[%dma_start3A, %dma_start3A_75] : memref<1792x16xf32, #tpu.memory_space<vmem>> -> memref<128x16xf32, #tpu.memory_space<vmem>>
        %dma_start3A_77 = arith.constant 0 : i32
        %dma_start3A_78 = tpu.memref_slice %arg6[%add3A_74, %dma_start3A_77] : memref<196x128xi32, #tpu.memory_space<vmem>> -> memref<1x128xi32, #tpu.memory_space<vmem>>
        %dma_start3A_79 = tpu.memref_squeeze %dma_start3A_78 : memref<1x128xi32, #tpu.memory_space<vmem>> -> memref<128xi32, #tpu.memory_space<vmem>>
        %dma_start3A_80 = arith.constant 0 : i32
        %dma_start3A_81 = arith.constant 0 : i32
        %dma_start3A_82 = tpu.memref_slice %arg8[%dma_start3A_80, %dma_start3A_81] : memref<50048x16xf32, #tpu.memory_space<vmem_shared>> -> memref<50048x16xf32, #tpu.memory_space<vmem_shared>>
        tpu.enqueue_indirect_dma source(%dma_start3A_76 : memref<128x16xf32, #tpu.memory_space<vmem>>) target(%dma_start3A_82 : memref<50048x16xf32, #tpu.memory_space<vmem_shared>>) offsets(%dma_start3A_79 : memref<128xi32, #tpu.memory_space<vmem>>) semaphore(%run_scoped3A : memref<!tpu.dma_semaphore, #tpu.memory_space<semaphore_mem>>) {add = true}
        %dma_wait3A = arith.constant 1664 : i32
        %dma_wait3A_83 = arith.constant 0 : i32
        %dma_wait3A_84 = tpu.memref_slice %arg7[%dma_wait3A, %dma_wait3A_83] : memref<1792x16xf32, #tpu.memory_space<vmem>> -> memref<128x16xf32, #tpu.memory_space<vmem>>
        %dma_wait3A_85 = arith.constant 0 : i32
        %dma_wait3A_86 = tpu.memref_slice %arg6[%add3A_74, %dma_wait3A_85] : memref<196x128xi32, #tpu.memory_space<vmem>> -> memref<1x128xi32, #tpu.memory_space<vmem>>
        %dma_wait3A_87 = tpu.memref_squeeze %dma_wait3A_86 : memref<1x128xi32, #tpu.memory_space<vmem>> -> memref<128xi32, #tpu.memory_space<vmem>>
        %dma_wait3A_88 = arith.constant 0 : i32
        %dma_wait3A_89 = arith.constant 0 : i32
        %dma_wait3A_90 = tpu.memref_slice %arg8[%dma_wait3A_88, %dma_wait3A_89] : memref<50048x16xf32, #tpu.memory_space<vmem_shared>> -> memref<50048x16xf32, #tpu.memory_space<vmem_shared>>
        tpu.wait_indirect_dma semaphore(%run_scoped3A : memref<!tpu.dma_semaphore, #tpu.memory_space<semaphore_mem>>) src(%dma_wait3A_84 : memref<128x16xf32, #tpu.memory_space<vmem>>) dst(%dma_wait3A_90 : memref<50048x16xf32, #tpu.memory_space<vmem_shared>>)
        tpu.yield
      }) : () -> ()
    }
    %scan3A_7 = arith.constant 14 : i32
    %barrier3A_8 = arith.constant 0 : index
    tpu.barrier barrier_id(%barrier3A_8)
    %mul3A_9 = arith.constant 3128 : i32
    %mul3A_10 = arith.muli %arg1, %mul3A_9 : i32
    %mul3A_11 = arith.constant 3128 : i32
    %mul3A_12 = arith.muli %arg1, %mul3A_11 : i32
    "tpu.region"() ({
      %run_scoped3A = tpu.sem_alloc : memref<!tpu.dma_semaphore, #tpu.memory_space<semaphore_mem>>
      %dma_start3A = arith.constant 0 : i32
      %dma_start3A_13 = tpu.memref_slice %arg5[%arg0, %mul3A_12, %dma_start3A] : memref<2x50048x16xf32, #tpu.memory_space<hbm>> -> memref<1x3128x16xf32, #tpu.memory_space<hbm>>
      %dma_start3A_14 = tpu.memref_squeeze %dma_start3A_13 : memref<1x3128x16xf32, #tpu.memory_space<hbm>> -> memref<3128x16xf32, #tpu.memory_space<hbm>>
      %dma_start3A_15 = arith.constant 0 : i32
      %dma_start3A_16 = tpu.memref_slice %arg8[%mul3A_10, %dma_start3A_15] : memref<50048x16xf32, #tpu.memory_space<vmem_shared>> -> memref<3128x16xf32, #tpu.memory_space<vmem_shared>>
      tpu.enqueue_dma source(%dma_start3A_16 : memref<3128x16xf32, #tpu.memory_space<vmem_shared>>) target(%dma_start3A_14 : memref<3128x16xf32, #tpu.memory_space<hbm>>) target_semaphore(%run_scoped3A : memref<!tpu.dma_semaphore, #tpu.memory_space<semaphore_mem>>)
      %dma_wait3A = arith.constant 0 : i32
      %dma_wait3A_17 = tpu.memref_slice %arg5[%arg0, %mul3A_12, %dma_wait3A] : memref<2x50048x16xf32, #tpu.memory_space<hbm>> -> memref<1x3128x16xf32, #tpu.memory_space<hbm>>
      %dma_wait3A_18 = tpu.memref_squeeze %dma_wait3A_17 : memref<1x3128x16xf32, #tpu.memory_space<hbm>> -> memref<3128x16xf32, #tpu.memory_space<hbm>>
      %dma_wait3A_19 = arith.constant 0 : i32
      %dma_wait3A_20 = tpu.memref_slice %arg8[%mul3A_10, %dma_wait3A_19] : memref<50048x16xf32, #tpu.memory_space<vmem_shared>> -> memref<3128x16xf32, #tpu.memory_space<vmem_shared>>
      tpu.wait_dma2 semaphore(%run_scoped3A : memref<!tpu.dma_semaphore, #tpu.memory_space<semaphore_mem>>) src(%dma_wait3A_20 : memref<3128x16xf32, #tpu.memory_space<vmem_shared>>) dst(%dma_wait3A_18 : memref<3128x16xf32, #tpu.memory_space<hbm>>)
      tpu.yield
    }) : () -> ()
    return
  }
}

module attributes {stable_mosaic.version = 14 : i64} {
  func.func @_tc_compute_body(%arg0: i32, %arg1: memref<8x8192xf32, #tpu.memory_space<vmem>>, %arg2: memref<1024x128xf32, #tpu.memory_space<vmem>>, %arg3: memref<8x32xf32, #tpu.memory_space<vmem>>, %arg4: memref<32x32xf32, #tpu.memory_space<vmem>>, %arg5: memref<32x128xf32, #tpu.memory_space<vmem>>, %arg6: memref<32x256xbf16, #tpu.memory_space<vmem>>, %arg7: memref<1024x128xf32, #tpu.memory_space<vmem>>) attributes {dimension_semantics = [#tpu.dimension_semantics<arbitrary>], iteration_bounds = array<i64: 98>, scalar_prefetch = 0 : i64, scratch_operands = 0 : i64, tpu.core_type = #tpu.core_type<tc>, window_params = [{transform_indices = @transform_0, window_bounds = array<i64: 8, 8192>}, {transform_indices = @transform_1, window_bounds = array<i64: 1024, 128>}, {pipeline_mode = #tpu.pipeline_mode<synchronous>, transform_indices = @transform_2, window_bounds = array<i64: 8, 32>}, {pipeline_mode = #tpu.pipeline_mode<synchronous>, transform_indices = @transform_3, window_bounds = array<i64: 32, 32>}, {pipeline_mode = #tpu.pipeline_mode<synchronous>, transform_indices = @transform_4, window_bounds = array<i64: 32, 128>}, {pipeline_mode = #tpu.pipeline_mode<synchronous>, transform_indices = @transform_5, window_bounds = array<i64: 32, 256>}, {transform_indices = @transform_6, window_bounds = array<i64: 1024, 128>}]} {
    %get3A = arith.constant 0 : index
    %get3A_0 = arith.constant 0 : index
    %get3A_1 = vector.load %arg1[%get3A, %get3A_0] : memref<8x8192xf32, #tpu.memory_space<vmem>>, vector<8x8192xf32>
    %get3A_2 = arith.constant 0 : index
    %get3A_3 = arith.constant 0 : index
    %get3A_4 = vector.load %arg3[%get3A_2, %get3A_3] : memref<8x32xf32, #tpu.memory_space<vmem>>, vector<8x32xf32>
    %dot_general3A = arith.constant dense<0.000000e+00> : vector<32x8192xf32>
    %dot_general3A_5 = tpu.matmul %get3A_4, %get3A_1, %dot_general3A {dimension_numbers = #tpu.dot_dimension_numbers<[0], [0], [1], [1], [0, 1, 1, 1], [], []>, transpose_lhs_hint = false} : vector<8x32xf32>, vector<8x8192xf32>, vector<32x8192xf32> -> vector<32x8192xf32>
    %max3A = arith.constant 0.000000e+00 : f32
    %max3A_6 = vector.broadcast %max3A : f32 to vector<32x8192xf32>
    %max3A_7 = arith.maximumf %dot_general3A_5, %max3A_6 : vector<32x8192xf32>
    %get3A_8 = arith.constant 0 : index
    %get3A_9 = arith.constant 0 : index
    %get3A_10 = vector.load %arg4[%get3A_8, %get3A_9] : memref<32x32xf32, #tpu.memory_space<vmem>>, vector<32x32xf32>
    %dot_general3A_11 = arith.constant dense<0.000000e+00> : vector<32x8192xf32>
    %dot_general3A_12 = tpu.matmul %get3A_10, %max3A_7, %dot_general3A_11 {dimension_numbers = #tpu.dot_dimension_numbers<[0], [0], [1], [1], [0, 1, 1, 1], [], []>, transpose_lhs_hint = false} : vector<32x32xf32>, vector<32x8192xf32>, vector<32x8192xf32> -> vector<32x8192xf32>
    %get3A_13 = arith.constant 0 : index
    %get3A_14 = arith.constant 0 : index
    %get3A_15 = vector.load %arg5[%get3A_13, %get3A_14] : memref<32x128xf32, #tpu.memory_space<vmem>>, vector<32x1xf32>
    %add3A = vector.broadcast %get3A_15 : vector<32x1xf32> to vector<32x8192xf32>
    %add3A_16 = arith.addf %dot_general3A_12, %add3A : vector<32x8192xf32>
    %max3A_17 = arith.constant 0.000000e+00 : f32
    %max3A_18 = vector.broadcast %max3A_17 : f32 to vector<32x8192xf32>
    %max3A_19 = arith.maximumf %add3A_16, %max3A_18 : vector<32x8192xf32>
    %convert_element_type3A = arith.truncf %max3A_19 : vector<32x8192xf32> to vector<32x8192xbf16>
    %get3A_20 = arith.constant 0 : index
    %get3A_21 = arith.constant 0 : index
    %get3A_22 = vector.load %arg6[%get3A_20, %get3A_21] : memref<32x256xbf16, #tpu.memory_space<vmem>>, vector<32x256xbf16>
    %dot_general3A_23 = arith.constant dense<0.000000e+00> : vector<8192x256xf32>
    %dot_general3A_24 = tpu.matmul %convert_element_type3A, %get3A_22, %dot_general3A_23 {dimension_numbers = #tpu.dot_dimension_numbers<[0], [0], [1], [1], [0, 1, 1, 1], [], []>, transpose_lhs_hint = false} : vector<32x8192xbf16>, vector<32x256xbf16>, vector<8192x256xf32> -> vector<8192x256xf32>
    %get3A_25 = arith.constant 0 : index
    %get3A_26 = arith.constant 0 : index
    %get3A_27 = vector.load %arg2[%get3A_25, %get3A_26] : memref<1024x128xf32, #tpu.memory_space<vmem>>, vector<1024x128xf32>
    %convert_element_type3A_28 = arith.truncf %get3A_27 : vector<1024x128xf32> to vector<1024x128xbf16>
    %iota3A = tpu.iota {dimensions = array<i32: 0>} : vector<8x128xi32>
    %iota3A_29 = tpu.iota {dimensions = array<i32: 1>} : vector<8x128xi32>
    %shift_right_arithmetic3A = arith.constant 4 : i32
    %shift_right_arithmetic3A_30 = vector.broadcast %shift_right_arithmetic3A : i32 to vector<8x128xi32>
    %shift_right_arithmetic3A_31 = arith.shrsi %iota3A_29, %shift_right_arithmetic3A_30 : vector<8x128xi32>
    %eq3A = arith.cmpi eq, %shift_right_arithmetic3A_31, %iota3A : vector<8x128xi32>
    %jit3A = arith.constant 1.000000e+00 : f32
    %jit3A_32 = arith.constant 0.000000e+00 : f32
    %broadcast_in_dim3A = vector.broadcast %jit3A : f32 to vector<8x128xf32>
    %broadcast_in_dim3A_33 = vector.broadcast %jit3A_32 : f32 to vector<8x128xf32>
    %select_n3A = arith.select %eq3A, %broadcast_in_dim3A, %broadcast_in_dim3A_33 : vector<8x128xi1>, vector<8x128xf32>
    %convert_element_type3A_34 = arith.truncf %select_n3A : vector<8x128xf32> to vector<8x128xbf16>
    %broadcast_in_dim3A_35 = vector.shape_cast %convert_element_type3A_28 : vector<1024x128xbf16> to vector<1x1024x128xbf16>
    %broadcast_in_dim3A_36 = vector.shape_cast %broadcast_in_dim3A_35 : vector<1x1024x128xbf16> to vector<1x1024x128xbf16>
    %broadcast_in_dim3A_37 = vector.broadcast %broadcast_in_dim3A_36 : vector<1x1024x128xbf16> to vector<8x1024x128xbf16>
    %broadcast_in_dim3A_38 = vector.shape_cast %convert_element_type3A_34 : vector<8x128xbf16> to vector<8x1x128xbf16>
    %mul3A = vector.broadcast %broadcast_in_dim3A_38 : vector<8x1x128xbf16> to vector<8x1024x128xbf16>
    %mul3A_39 = arith.mulf %broadcast_in_dim3A_37, %mul3A : vector<8x1024x128xbf16>
    %reshape3A = vector.shape_cast %mul3A_39 : vector<8x1024x128xbf16> to vector<8192x128xbf16>
    %iota3A_40 = tpu.iota {dimensions = array<i32: 0>} : vector<128x256xi32>
    %iota3A_41 = tpu.iota {dimensions = array<i32: 1>} : vector<128x256xi32>
    %and3A = arith.constant 15 : i32
    %and3A_42 = vector.broadcast %and3A : i32 to vector<128x256xi32>
    %and3A_43 = arith.andi %iota3A_40, %and3A_42 : vector<128x256xi32>
    %and3A_44 = arith.constant 15 : i32
    %and3A_45 = vector.broadcast %and3A_44 : i32 to vector<128x256xi32>
    %and3A_46 = arith.andi %iota3A_41, %and3A_45 : vector<128x256xi32>
    %eq3A_47 = arith.cmpi eq, %and3A_43, %and3A_46 : vector<128x256xi32>
    %jit3A_48 = arith.constant 1.000000e+00 : f32
    %jit3A_49 = arith.constant 0.000000e+00 : f32
    %broadcast_in_dim3A_50 = vector.broadcast %jit3A_48 : f32 to vector<128x256xf32>
    %broadcast_in_dim3A_51 = vector.broadcast %jit3A_49 : f32 to vector<128x256xf32>
    %select_n3A_52 = arith.select %eq3A_47, %broadcast_in_dim3A_50, %broadcast_in_dim3A_51 : vector<128x256xi1>, vector<128x256xf32>
    %convert_element_type3A_53 = arith.truncf %select_n3A_52 : vector<128x256xf32> to vector<128x256xbf16>
    %dot_general3A_54 = arith.constant dense<0.000000e+00> : vector<8192x256xf32>
    %dot_general3A_55 = tpu.matmul %reshape3A, %convert_element_type3A_53, %dot_general3A_54 {dimension_numbers = #tpu.dot_dimension_numbers<[1], [0], [0], [1], [0, 0, 1, 1], [], []>, transpose_lhs_hint = false} : vector<8192x128xbf16>, vector<128x256xbf16>, vector<8192x256xf32> -> vector<8192x256xf32>
    %mul3A_56 = arith.mulf %dot_general3A_24, %dot_general3A_55 : vector<8192x256xf32>
    %convert_element_type3A_57 = arith.truncf %mul3A_56 : vector<8192x256xf32> to vector<8192x256xbf16>
    %iota3A_58 = tpu.iota {dimensions = array<i32: 0>} : vector<256x128xi32>
    %iota3A_59 = tpu.iota {dimensions = array<i32: 1>} : vector<256x128xi32>
    %and3A_60 = arith.constant 15 : i32
    %and3A_61 = vector.broadcast %and3A_60 : i32 to vector<256x128xi32>
    %and3A_62 = arith.andi %iota3A_59, %and3A_61 : vector<256x128xi32>
    %shift_right_arithmetic3A_63 = arith.constant 4 : i32
    %shift_right_arithmetic3A_64 = vector.broadcast %shift_right_arithmetic3A_63 : i32 to vector<256x128xi32>
    %shift_right_arithmetic3A_65 = arith.shrsi %iota3A_58, %shift_right_arithmetic3A_64 : vector<256x128xi32>
    %eq3A_66 = arith.cmpi eq, %and3A_62, %shift_right_arithmetic3A_65 : vector<256x128xi32>
    %jit3A_67 = arith.constant 1.000000e+00 : f32
    %jit3A_68 = arith.constant 0.000000e+00 : f32
    %broadcast_in_dim3A_69 = vector.broadcast %jit3A_67 : f32 to vector<256x128xf32>
    %broadcast_in_dim3A_70 = vector.broadcast %jit3A_68 : f32 to vector<256x128xf32>
    %select_n3A_71 = arith.select %eq3A_66, %broadcast_in_dim3A_69, %broadcast_in_dim3A_70 : vector<256x128xi1>, vector<256x128xf32>
    %convert_element_type3A_72 = arith.truncf %select_n3A_71 : vector<256x128xf32> to vector<256x128xbf16>
    %dot_general3A_73 = arith.constant dense<0.000000e+00> : vector<8192x128xf32>
    %dot_general3A_74 = tpu.matmul %convert_element_type3A_57, %convert_element_type3A_72, %dot_general3A_73 {dimension_numbers = #tpu.dot_dimension_numbers<[1], [0], [0], [1], [0, 0, 1, 1], [], []>, transpose_lhs_hint = false} : vector<8192x256xbf16>, vector<256x128xbf16>, vector<8192x128xf32> -> vector<8192x128xf32>
    %reshape3A_75 = vector.shape_cast %dot_general3A_74 : vector<8192x128xf32> to vector<8x1024x128xf32>
    %broadcast_in_dim3A_76 = vector.shape_cast %select_n3A : vector<8x128xf32> to vector<8x1x128xf32>
    %mul3A_77 = vector.broadcast %broadcast_in_dim3A_76 : vector<8x1x128xf32> to vector<8x1024x128xf32>
    %mul3A_78 = arith.mulf %reshape3A_75, %mul3A_77 : vector<8x1024x128xf32>
    %reduce_sum3A = arith.constant dense<0.000000e+00> : vector<1024x128xf32>
    %reduce_sum3A_79 = vector.multi_reduction <add>, %mul3A_78, %reduce_sum3A [0] : vector<8x1024x128xf32> to vector<1024x128xf32>
    %swap3A = arith.constant 0 : index
    %swap3A_80 = arith.constant 0 : index
    %swap3A_81 = vector.load %arg7[%swap3A, %swap3A_80] : memref<1024x128xf32, #tpu.memory_space<vmem>>, vector<1024x128xf32>
    tpu.vector_store %arg7[%swap3A, %swap3A_80], %reduce_sum3A_79 {strides = array<i32>} : memref<1024x128xf32, #tpu.memory_space<vmem>>, vector<1024x128xf32>,
    return
  }
  func.func @transform_0(%arg0: i32) -> (i32, i32) {
    %c0_i32 = arith.constant 0 : i32
    %c0_i32_0 = arith.constant 0 : i32
    return %c0_i32, %arg0 : i32, i32
  }
  func.func @transform_1(%arg0: i32) -> (i32, i32) {
    %c0_i32 = arith.constant 0 : i32
    %c0_i32_0 = arith.constant 0 : i32
    return %arg0, %c0_i32 : i32, i32
  }
  func.func @transform_2(%arg0: i32) -> (i32, i32) {
    %c0_i32 = arith.constant 0 : i32
    %c0_i32_0 = arith.constant 0 : i32
    %c0_i32_1 = arith.constant 0 : i32
    return %c0_i32, %c0_i32_0 : i32, i32
  }
  func.func @transform_3(%arg0: i32) -> (i32, i32) {
    %c0_i32 = arith.constant 0 : i32
    %c0_i32_0 = arith.constant 0 : i32
    %c0_i32_1 = arith.constant 0 : i32
    return %c0_i32, %c0_i32_0 : i32, i32
  }
  func.func @transform_4(%arg0: i32) -> (i32, i32) {
    %c0_i32 = arith.constant 0 : i32
    %c0_i32_0 = arith.constant 0 : i32
    %c0_i32_1 = arith.constant 0 : i32
    return %c0_i32, %c0_i32_0 : i32, i32
  }
  func.func @transform_5(%arg0: i32) -> (i32, i32) {
    %c0_i32 = arith.constant 0 : i32
    %c0_i32_0 = arith.constant 0 : i32
    %c0_i32_1 = arith.constant 0 : i32
    return %c0_i32, %c0_i32_0 : i32, i32
  }
  func.func @transform_6(%arg0: i32) -> (i32, i32) {
    %c0_i32 = arith.constant 0 : i32
    %c0_i32_0 = arith.constant 0 : i32
    return %arg0, %c0_i32 : i32, i32
  }
}

module attributes {stable_mosaic.version = 14 : i64} {
  func.func @_lambda_(%arg0: i32, %arg1: memref<2x3128x128xf32, #tpu.memory_space<vmem>>, %arg2: memref<3128x128xf32, #tpu.memory_space<vmem>>) attributes {dimension_semantics = [#tpu.dimension_semantics<arbitrary>], iteration_bounds = array<i64: 2>, scalar_prefetch = 0 : i64, scratch_operands = 0 : i64, tpu.core_type = #tpu.core_type<tc>, window_params = [{transform_indices = @transform_0, window_bounds = array<i64: 2, 3128, 128>}, {transform_indices = @transform_1, window_bounds = array<i64: 3128, 128>}]} {
    %get3A = arith.constant 0 : index
    %get3A_0 = arith.constant 0 : index
    %get3A_1 = arith.constant 0 : index
    %get3A_2 = vector.load %arg1[%get3A, %get3A_0, %get3A_1] : memref<2x3128x128xf32, #tpu.memory_space<vmem>>, vector<1x3128x128xf32>
    %get3A_3 = vector.shape_cast %get3A_2 : vector<1x3128x128xf32> to vector<3128x128xf32>
    %get3A_4 = arith.constant 1 : index
    %get3A_5 = arith.constant 0 : index
    %get3A_6 = arith.constant 0 : index
    %get3A_7 = vector.load %arg1[%get3A_4, %get3A_5, %get3A_6] : memref<2x3128x128xf32, #tpu.memory_space<vmem>>, vector<1x3128x128xf32>
    %get3A_8 = vector.shape_cast %get3A_7 : vector<1x3128x128xf32> to vector<3128x128xf32>
    %add3A = arith.addf %get3A_3, %get3A_8 : vector<3128x128xf32>
    %swap3A = arith.constant 0 : index
    %swap3A_9 = arith.constant 0 : index
    %swap3A_10 = vector.load %arg2[%swap3A, %swap3A_9] : memref<3128x128xf32, #tpu.memory_space<vmem>>, vector<3128x128xf32>
    tpu.vector_store %arg2[%swap3A, %swap3A_9], %add3A {strides = array<i32>} : memref<3128x128xf32, #tpu.memory_space<vmem>>, vector<3128x128xf32>,
    return
  }
  func.func @transform_0(%arg0: i32) -> (i32, i32, i32) {
    %c0_i32 = arith.constant 0 : i32
    %c0_i32_0 = arith.constant 0 : i32
    %c0_i32_1 = arith.constant 0 : i32
    return %c0_i32, %arg0, %c0_i32_0 : i32, i32, i32
  }
  func.func @transform_1(%arg0: i32) -> (i32, i32) {
    %c0_i32 = arith.constant 0 : i32
    %c0_i32_0 = arith.constant 0 : i32
    return %arg0, %c0_i32 : i32, i32
  }
}

</mosaic_0001>

<sc_bundles>
// kernel: kernel.6.cloned.1.call-start
scs
__scs_entry_jumppad:
0x0: {  	(pc) =	sbr.rel $0x88, $3  }
0x1: {  	(tag) =	ssettag $0x0;
	lr =	simm.s32 $0x1  }
0x2: {  	[smem:$0x3F99] =	sst lr;
	_ =	strace $0xD0000000  }
0x3: {  	_ = 	snop  }
0x4: {  	_ = 	snop  }
0x5: {  	_ = 	snop  }
0x6: {  	_ = 	snop  }
0x7: {  	_ = 	snop  }
__scs_overlays_trampoline_lowered:
0x8: {  	[smem:$0x3FA8] =	sst s0  }
0x9: {  	[smem:$0x3FA9] =	sst s1  }
0xa: {  	[smem:$0x3FAA] =	sst s2  }
0xb: {  	[smem:$0x3FAB] =	sst s3  }
0xc: {  	[smem:$0x3FAC] =	sst s4  }
0xd: {  	[smem:$0x3FAD] =	sst s5  }
0xe: {  	[smem:$0x3FAE] =	sst s6  }
0xf: {  	[smem:$0x3FAF] =	sst s7  }
0x10: {  	[smem:$0x3FB0] =	sst s8  }
0x11: {  	[smem:$0x3FB1] =	sst s9;
	s0 =	simm.s32 @!p0 $0x0  }
0x12: {  	s1 =	sld [smem:$0x3F97];
	s0 =	simm.s32 @p0 $0x1  }
0x13: {  	[smem:$0x3FB2] =	sst s0;
	s0 =	simm.s32 @!p1 $0x0  }
0x14: {  	s2 =	sld [smem:$0x3F96];
	s0 =	simm.s32 @p1 $0x1  }
0x15: {  	[smem:$0x3FB3] =	sst s0;
	s0 =	simm.s32 @!p2 $0x0  }
0x16: {  	s3 =	sld [smem:$0x3FDB];
	s0 =	simm.s32 @p2 $0x1  }
0x17: {  	s4 =	simm.s32 $0x1BF5;
	[smem:$0x3FB5] =	sst s0  }
0x18: {  	s0 =	sld [smem:$0x3F98];
	_ =	swait.ge [sflag:s4], $0x0  }
0x19: {  	s7 =	sld [smem:$0x3F99]  }
0x1a: {  	s8 =	sadd.s32 $0xFFFFE003, lr  }
0x1b: {  	s9 =	sadd.s32 $0xFFFFFEF7, lr;
	s5 =	simm.s32 $0xFFFFFFFF;
	p2 =	slt.u32 s8, $0xFFFFF086  }
0x1c: {  	p1 =	slt.u32 s9, $0xF7A;
	s5 =	simm.s32 @!p2 $0x0  }
0x1d: {  	s5 =	simm.s32 @p1 $0x1;
	p0 =	seq.s32 s7, s2  }
0x1e: {  	s7 =	smul.u32 @!p0 $0xF7A, s2;
	p2 =	seq.s32 @!p0 s5, $0x0  }
0x1f: {  	s9 =	smul.u32 $0xF7A, s1;
	s8 =	simm.s32 @!p0 $0x1BF5;
	p2 =	por !p2, p0  }
0x20: {  	[sflag:s8] =	ssyncset.s32 @!p0 $0xFFFFF086;
	s6 =	sadd.s32 @!p0 s3, s7;
	s7 =	simm.s32 @!p0 $0x108  }
0x21: {  	s3 =	sadd.s32 s3, s9;
	s6 =	sadd.s32 @!p0 $0x88, s6;
	s7 =	simm.s32 @p2 $0x1082  }
0x22: {  	[simem:s7], [sflag:s8] =	dma.local @!p0 [hbm:s6], $0xF7A  }
0x23: {  	s9 =	sor.u32 $0xD0000000, s2;
	s6 =	simm.s32 $0x108;
	_ =	swait.ge @!p0 [sflag:s8], $0x0  }
0x24: {  	s3 =	sadd.s32 $0x88, s3;
	s6 =	simm.s32 @!p1 $0x1082;
	[sflag:s4] =	ssyncset.s32 $0xFFFFF086  }
0x25: {  	[simem:s6], [sflag:s4] =	dma.local [hbm:s3], $0xF7A  }
0x26: {  	[smem:$0x3F99] =	sst s1;
	(tag) =	ssettag s2;
	_ =	strace s9  }
0x27: {  	s1 =	sld [smem:$0x3FA9]  }
0x28: {  	s2 =	sld [smem:$0x3FAA]  }
0x29: {  	s4 =	sld [smem:$0x3FAC]  }
0x2a: {  	p0 =	seq.s32 s5, $0x0;
	s5 =	sld [smem:$0x3FAD]  }
0x2b: {  	s6 =	sld [smem:$0x3FAE]  }
0x2c: {  	s7 =	sld [smem:$0x3FAF]  }
0x2d: {  	s3 =	simm.s32 $0x108;
	s8 =	sld [smem:$0x3FB0]  }
0x2e: {  	s3 =	simm.s32 @!p0 $0x1082;
	s9 =	sld [smem:$0x3FB1]  }
0x2f: {  	lr =	sadd.s32 s0, s3;
	s0 =	sld [smem:$0x3FA8]  }
0x30: {  	s3 =	sld [smem:$0x3FAB]  }
0x31: {  	[smem:$0x3FB4] =	sst s10  }
0x32: {  	s10 =	sld [smem:$0x3FB2];
	_ =	sdelay $0x3  }
0x33: {  	p0 =	seq.s32 s10, $0x1;
	s10 =	sld [smem:$0x3FB4];
	_ =	sdelay $0x3  }
0x34: {  	[smem:$0x3FB4] =	sst s10  }
0x35: {  	s10 =	sld [smem:$0x3FB3];
	_ =	sdelay $0x3  }
0x36: {  	p1 =	seq.s32 s10, $0x1;
	s10 =	sld [smem:$0x3FB4];
	_ =	sdelay $0x3  }
0x37: {  	[smem:$0x3FB4] =	sst s10  }
0x38: {  	s10 =	sld [smem:$0x3FB5]  }
0x39: {  	_ = 	snop;
	(pc) =	sbr.ind lr, $3  }
0x3a: {  	_ = 	snop  }
0x3b: {  	_ = 	snop  }
0x3c: {  	p2 =	seq.s32 s10, $0x1;
	s10 =	sld [smem:$0x3FB4]  }
0x3d: {  	_ =	shalt  }
0x3e: {  	_ =	shalt  }
0x3f: {  	_ =	shalt  }
0x40: {  	_ =	shalt  }
0x41: {  	_ =	shalt  }
0x42: {  	_ =	shalt  }
0x43: {  	_ =	shalt  }
0x44: {  	_ =	shalt  }
0x45: {  	_ =	shalt  }
0x46: {  	_ =	shalt  }
0x47: {  	_ =	shalt  }
0x48: {  	_ =	shalt  }
0x49: {  	_ =	shalt  }
0x4a: {  	_ =	shalt  }
0x4b: {  	_ =	shalt  }
0x4c: {  	_ =	shalt  }
0x4d: {  	_ =	shalt  }
0x4e: {  	_ =	shalt  }
0x4f: {  	_ =	shalt  }
0x50: {  	_ =	shalt  }
0x51: {  	_ =	shalt  }
0x52: {  	_ =	shalt  }
0x53: {  	_ =	shalt  }
0x54: {  	_ =	shalt  }
0x55: {  	_ =	shalt  }
0x56: {  	_ =	shalt  }
0x57: {  	_ =	shalt  }
0x58: {  	_ =	shalt  }
0x59: {  	_ =	shalt  }
0x5a: {  	_ =	shalt  }
0x5b: {  	_ =	shalt  }
0x5c: {  	_ =	shalt  }
0x5d: {  	_ =	shalt  }
0x5e: {  	_ =	shalt  }
0x5f: {  	_ =	shalt  }
0x60: {  	_ =	shalt  }
0x61: {  	_ =	shalt  }
0x62: {  	_ =	shalt  }
0x63: {  	_ =	shalt  }
0x64: {  	_ =	shalt  }
0x65: {  	_ =	shalt  }
0x66: {  	_ =	shalt  }
0x67: {  	_ =	shalt  }
0x68: {  	_ =	shalt  }
0x69: {  	_ =	shalt  }
0x6a: {  	_ =	shalt  }
0x6b: {  	_ =	shalt  }
0x6c: {  	_ =	shalt  }
0x6d: {  	_ =	shalt  }
0x6e: {  	_ =	shalt  }
0x6f: {  	_ =	shalt  }
0x70: {  	_ =	shalt  }
0x71: {  	_ =	shalt  }
0x72: {  	_ =	shalt  }
0x73: {  	_ =	shalt  }
0x74: {  	_ =	shalt  }
0x75: {  	_ =	shalt  }
0x76: {  	_ =	shalt  }
0x77: {  	_ =	shalt  }
0x78: {  	_ =	shalt  }
0x79: {  	_ =	shalt  }
0x7a: {  	_ =	shalt  }
0x7b: {  	_ =	shalt  }
0x7c: {  	_ =	shalt  }
0x7d: {  	_ =	shalt  }
0x7e: {  	_ =	shalt  }
0x7f: {  	_ =	shalt  }
0x80: {  	_ =	shalt  }
0x81: {  	_ =	shalt  }
0x82: {  	_ =	shalt  }
0x83: {  	_ =	shalt  }
0x84: {  	_ =	shalt  }
0x85: {  	_ =	shalt  }
0x86: {  	_ =	shalt  }
0x87: {  	_ =	shalt  }
.Lfunc_end0:
.L_simem_size_0:
called_computation_lowered:
.L_overlay_start_0:
0x88: {  	s2 =	sld [smem:$0x3FD9]  }
0x89: {  	s3 =	sld [smem:$0x3FFE];
	_ =	sdelay $0x1  }
0x8a: {  	s1 =	srdreg.scid  }
0x8b: {  	s0 =	sand.u32 $0x1, s1  }
0x8c: {  	s17 =	sshll.u32 s0, $0xA;
	s2 =	sadd.s32 s3, s2  }
0x8d: {  	s2 =	sadd.s32 s2, s17  }
0x8e: {  	[smem:$0x3FC0] =	sst s2  }
0x8f: {  	_ = 	snop  }
0x90: {  	s2 =	sld [smem:$0x3FD0];
	(tm) =	ssettm $0x1  }
0x91: {  	s18 =	sld [smem:$0x3FFB];
	_ =	sdelay $0x3  }
0x92: {  	_ =	strace s18  }
0x93: {  	s3 =	sld [smem:$0x3FFC];
	_ =	sdelay $0x3  }
0x94: {  	_ =	strace s3  }
0x95: {  	s3 =	sld [smem:$0x3FFD];
	_ =	sdelay $0x3  }
0x96: {  	_ =	strace s3  }
0x97: {  	_ =	strace $0x8FFFFFFF  }
0x98: {  	s19 =	sld [smem:$0x3FDB];
	_ =	sdelay $0x1  }
0x99: {  	s4 =	simm.s32 $_scs_section_size  }
0x9a: {  	s5 =	simm.s32 $_size__tile_overlayer_lowered;
	s6 =	simm.s32 $_tile_overlayer_lowered  }
0x9b: {  	s22 =	simm.s32 $0x1BFF;
	s21 =	sshll.u32 s6, $0x1;
	s3 =	sadd.s32 s4, s19  }
0x9c: {  	s7 =	simm.s32 $0x0;
	s20 =	sshll.u32 s5, $0x1;
	s5 =	sadd.s32 s21, s3  }
0x9d: {  	[timem:s7], [sflag:s22] =	dma.local [hbm:s5], s20  }
0x9e: {  	_ =	swait.ge [sflag:s22], s20  }
0x9f: {  	s4 =	ssub.s32 $0x0, s20;
	[sflag:s22] =	ssyncset.done $0x0  }
0xa0: {  	[sflag:s22] =	ssyncadd.s32 s4;
	_ =	sdelay $0x1  }
0xa1: {  	s23 =	simm.s32 $0x1B8B  }
0xa2: {  	_ =	swait.ge [sflag:s23], $0x1  }
0xa3: {  	[sflag:s23] =	ssyncset.done $0x0  }
0xa4: {  	s25 =	simm.s32 $0x1B8E;
	s24 =	sld [smem:$0x3FFE];
	[sflag:s23] =	ssyncadd.s32 $0xFFFFFFFF  }
0xa5: {  	s26 =	simm.s32 $execute0_lowered;
	[smem:$0x3FD2] =	sst s25  }
0xa6: {  	s5 =	sshll.u32 s26, $0x1;
	_ =	strace $0x80000046;
	[dreg:$0x1] =	wrdreg $0xFFFFFFFF  }
0xa7: {  	s28 =	simm.s32 $_size_execute0_lowered;
	s3 =	sadd.s32 s3, s5;
	[dreg:$0x0] =	wrdreg $0x0  }
0xa8: {  	s5 =	sshll.u32 s28, $0x1;
	[dreg:$0x2] =	wrdreg s3  }
0xa9: {  	[dreg:$0x3] =	wrdreg s5  }
0xaa: {  	[dreg:$0x4] =	wrdreg $0xC0  }
0xab: {  	_ =	task [dreg:s7], $0x5FFFF  }
0xac: {  	[dreg:$0x1] =	wrdreg $0xFFFFFFFF  }
0xad: {  	[dreg:$0x0] =	wrdreg $0x60  }
0xae: {  	[dreg:$0x2] =	wrdreg s2  }
0xaf: {  	[dreg:$0x3] =	wrdreg s24  }
0xb0: {  	[dreg:$0x4] =	wrdreg $0x9  }
0xb1: {  	_ =	task.clear_ibuf [dreg:s7], $0x5FFFF;
	_ =	strace $0x90000046  }
0xb2: {  	s29 =	simm.s32 $0x9;
	_ =	strace $0x80000048  }
0xb3: {  	_ =	swait.ge [sflag:s29], $0x1  }
0xb4: {  	[sflag:s29] =	ssyncadd.s32 $0xFFFFFFFF  }
0xb5: {  	_ =	strace $0x90000048  }
0xb6: {  	_ =	sfence  }
0xb7: {  	s30 =	sld [smem:$0x0];
	_ =	sdelay $0x2  }
0xb8: {  	s31 =	sshll.u32 s1, $0xD;
	s1 =	sshrl.u32 s1, $0x2  }
0xb9: {  	s3 =	sand.u32 $0x4000, s31;
	s1 =	sadd.s32 s1, s30  }
0xba: {  	s0 =	sor.u32 s3, s0;
	s1 =	sshll.u32 s1, $0x11  }
0xbb: {  	s0 =	sor.u32 s1, s0  }
0xbc: {  	s0 =	sadd.s32 $0x8F2B, s0  }
0xbd: {  	[sflag:s0] =	ssyncadd.remote.s32 $0x1  }
0xbe: {  	_ =	sfence.sel $0xFFFF  }
0xbf: {  	[dreg:$0x0] =	wrdreg $0xFFFFFFFF;
	(pc) =	sbr.abs _section_cstart, $3  }
0xc0: {  	[dreg:$0x1] =	wrdreg $0xFFFFFFFF  }
0xc1: {  	_ =	task.clear_ibuf [dreg:s7], $0x2FFFF;
	_ =	strace $0x9FFFFFFF  }
0xc2: {  	(tm) =	ssettm $0x7FFFFFFF  }
0xc3: {  	_ =	shalt  }
tec
execute0_lowered:
.L_overlay_start_1:
0x0: {  	(tag) =	ssettag $0x1  }
0x1: {  	s2 =	rddreg [dreg:$0x0]  }
0x2: {  	s1 =	srdreg.scid;
	s0 =	stileid.u32  }
0x3: {  	s4 =	rddreg [dreg:$0x1];
	s3 =	simm.s32 $0x0;
	s29 =	simm.s32 $0x6A00  }
0x4: {  	s30 =	simm.s32 $0x7200;
	s31 =	simm.s32 $0x7A00;
	s11 =	simm.s32 $0x8A00  }
0x5: {  	s12 =	simm.s32 $0x9200;
	s13 =	simm.s32 $0x9A00;
	s14 =	simm.s32 $0xA200  }
0x6: {  	s15 =	simm.s32 $0xAA00;
	s16 =	simm.s32 $0xB200;
	s17 =	simm.s32 $0xBA00  }
0x7: {  	s18 =	simm.s32 $0xC200;
	s19 =	simm.s32 $0xCA00;
	s20 =	simm.s32 $0x1  }
0x8: {  	s21 =	simm.s32 $0x0;
	s5 =	sand.u32 $0x1, s1;
	s1 =	rddreg [dreg:$0x2]  }
0x9: {  	s6 =	sshll.u32 s0, $0x1;
	[smem:$0x7FF] =	sst s3;
	s7 =	smul.u32 $0x18800, s0  }
0xa: {  	s6 =	sor.u32 s5, s6;
	_ =	strace $0x80000047;
	[dreg:$0x3] =	wrdreg s29  }
0xb: {  	s8 =	ssub.s32 $0x2, s5;
	s10 =	smul.u32 $0xC400, s5;
	[dreg:$0x4] =	wrdreg s30  }
0xc: {  	s6 =	smul.u32 $0x6200, s6;
	s9 =	sshrl.u32 s8, $0x1;
	s7 =	sadd.s32 s7, s4  }
0xd: {  	[dreg:$0x5] =	wrdreg s31;
	s26 =	ssub.s32 s8, s9;
	s28 =	sadd.s32 s10, s7  }
0xe: {  	s7 =	simm.s32 $0x2;
	s8 =	simm.s32 $0x80;
	s6 =	sshrl.u32 s6, $0x3  }
0xf: {  	s9 =	simm.s32 $0x6200;
	s10 =	simm.s32 $0x8200;
	s6 =	sadd.s32 s6, s4  }
0x10: {  	s5 =	smax.u32 s26, $0x1;
	s4 =	sadd.s32 $0x19600, s6;
	s6 =	sadd.s32 $0x31E00, s28  }
.LBB2_1:
0x11: {  	[tilespmem:s3], [sflag:$0x2] =	stream.linear.gather [hbm4b:s4+s3], $0x6200, $0x38;
	[tilespmem:$0xD200] =	vst v63  }
0x12: {  	_ =	swait.ge [sflag:s7], $0x6200  }
0x13: {  	[sflag:s7] =	ssyncset.done $0x0  }
0x14: {  	s22 =	simm.s32 $0x0;
	[sflag:s7] =	ssyncadd.s32 $0xFFFF9E00  }
0x15: {  	[tilespmem:s9], [sflag:$0x1] =	stream.indirect.gather [hbm4b:s2+s8], $0x10, s22, s8, $0xb8;
	[tilespmem:$0xD200] =	vst v63  }
0x16: {  	s24 =	simm.s32 $0x80;
	s23 =	rddreg [dreg:$0x3]  }
0x17: {  	[tilespmem:s23], [sflag:$0x1] =	stream.indirect.gather [hbm4b:s2+s8], $0x10, s24, s8, $0xb8;
	[tilespmem:$0xD200] =	vst v63  }
0x18: {  	s26 =	simm.s32 $0x100;
	s25 =	rddreg [dreg:$0x4]  }
0x19: {  	[tilespmem:s25], [sflag:$0x1] =	stream.indirect.gather [hbm4b:s2+s8], $0x10, s26, s8, $0xb8;
	[tilespmem:$0xD200] =	vst v63  }
0x1a: {  	s29 =	simm.s32 $0x180;
	s28 =	rddreg [dreg:$0x5]  }
0x1b: {  	[tilespmem:s28], [sflag:$0x1] =	stream.indirect.gather [hbm4b:s2+s8], $0x10, s29, s8, $0xb8;
	[tilespmem:$0xD200] =	vst v63  }
0x1c: {  	s30 =	simm.s32 $0x200  }
0x1d: {  	[tilespmem:s10], [sflag:$0x1] =	stream.indirect.gather [hbm4b:s2+s8], $0x10, s30, s8, $0xb8;
	[tilespmem:$0xD200] =	vst v63  }
0x1e: {  	s31 =	simm.s32 $0x280  }
0x1f: {  	[tilespmem:s11], [sflag:$0x1] =	stream.indirect.gather [hbm4b:s2+s8], $0x10, s31, s8, $0xb8;
	[tilespmem:$0xD200] =	vst v63  }
0x20: {  	s23 =	simm.s32 $0x300  }
0x21: {  	[tilespmem:s12], [sflag:$0x1] =	stream.indirect.gather [hbm4b:s2+s8], $0x10, s23, s8, $0xb8;
	[tilespmem:$0xD200] =	vst v63  }
0x22: {  	s24 =	simm.s32 $0x380  }
0x23: {  	[tilespmem:s13], [sflag:$0x1] =	stream.indirect.gather [hbm4b:s2+s8], $0x10, s24, s8, $0xb8;
	[tilespmem:$0xD200] =	vst v63  }
0x24: {  	s25 =	simm.s32 $0x400  }
0x25: {  	[tilespmem:s14], [sflag:$0x1] =	stream.indirect.gather [hbm4b:s2+s8], $0x10, s25, s8, $0xb8;
	[tilespmem:$0xD200] =	vst v63  }
0x26: {  	s26 =	simm.s32 $0x480  }
0x27: {  	[tilespmem:s15], [sflag:$0x1] =	stream.indirect.gather [hbm4b:s2+s8], $0x10, s26, s8, $0xb8;
	[tilespmem:$0xD200] =	vst v63  }
0x28: {  	s28 =	simm.s32 $0x500  }
0x29: {  	[tilespmem:s16], [sflag:$0x1] =	stream.indirect.gather [hbm4b:s2+s8], $0x10, s28, s8, $0xb8;
	[tilespmem:$0xD200] =	vst v63  }
0x2a: {  	s29 =	simm.s32 $0x580  }
0x2b: {  	[tilespmem:s17], [sflag:$0x1] =	stream.indirect.gather [hbm4b:s2+s8], $0x10, s29, s8, $0xb8;
	[tilespmem:$0xD200] =	vst v63  }
0x2c: {  	s30 =	simm.s32 $0x600  }
0x2d: {  	[tilespmem:s18], [sflag:$0x1] =	stream.indirect.gather [hbm4b:s2+s8], $0x10, s30, s8, $0xb8;
	[tilespmem:$0xD200] =	vst v63  }
0x2e: {  	s31 =	simm.s32 $0x680  }
0x2f: {  	[tilespmem:s19], [sflag:$0x1] =	stream.indirect.gather [hbm4b:s2+s8], $0x10, s31, s8, $0xb8;
	[tilespmem:$0xD200] =	vst v63  }
0x30: {  	_ =	swait.ge [sflag:s20], $0x800  }
0x31: {  	[sflag:s20] =	ssyncset.done $0x0  }
0x32: {  	[sflag:s20] =	ssyncadd.s32 $0xFFFFF800  }
0x33: {  	_ =	swait.ge [sflag:s20], $0x800  }
0x34: {  	[sflag:s20] =	ssyncset.done $0x0  }
0x35: {  	[sflag:s20] =	ssyncadd.s32 $0xFFFFF800  }
0x36: {  	_ =	swait.ge [sflag:s20], $0x800  }
0x37: {  	[sflag:s20] =	ssyncset.done $0x0  }
0x38: {  	[sflag:s20] =	ssyncadd.s32 $0xFFFFF800  }
0x39: {  	_ =	swait.ge [sflag:s20], $0x800  }
0x3a: {  	[sflag:s20] =	ssyncset.done $0x0  }
0x3b: {  	[sflag:s20] =	ssyncadd.s32 $0xFFFFF800  }
0x3c: {  	_ =	swait.ge [sflag:s20], $0x800  }
0x3d: {  	[sflag:s20] =	ssyncset.done $0x0  }
0x3e: {  	[sflag:s20] =	ssyncadd.s32 $0xFFFFF800  }
0x3f: {  	_ =	swait.ge [sflag:s20], $0x800  }
0x40: {  	[sflag:s20] =	ssyncset.done $0x0  }
0x41: {  	[sflag:s20] =	ssyncadd.s32 $0xFFFFF800  }
0x42: {  	_ =	swait.ge [sflag:s20], $0x800  }
0x43: {  	[sflag:s20] =	ssyncset.done $0x0  }
0x44: {  	[sflag:s20] =	ssyncadd.s32 $0xFFFFF800  }
0x45: {  	_ =	swait.ge [sflag:s20], $0x800  }
0x46: {  	[sflag:s20] =	ssyncset.done $0x0  }
0x47: {  	[sflag:s20] =	ssyncadd.s32 $0xFFFFF800  }
0x48: {  	_ =	swait.ge [sflag:s20], $0x800  }
0x49: {  	[sflag:s20] =	ssyncset.done $0x0  }
0x4a: {  	[sflag:s20] =	ssyncadd.s32 $0xFFFFF800  }
0x4b: {  	_ =	swait.ge [sflag:s20], $0x800  }
0x4c: {  	[sflag:s20] =	ssyncset.done $0x0  }
0x4d: {  	[sflag:s20] =	ssyncadd.s32 $0xFFFFF800  }
0x4e: {  	_ =	swait.ge [sflag:s20], $0x800  }
0x4f: {  	[sflag:s20] =	ssyncset.done $0x0  }
0x50: {  	[sflag:s20] =	ssyncadd.s32 $0xFFFFF800  }
0x51: {  	_ =	swait.ge [sflag:s20], $0x800  }
0x52: {  	[sflag:s20] =	ssyncset.done $0x0  }
0x53: {  	[sflag:s20] =	ssyncadd.s32 $0xFFFFF800  }
0x54: {  	_ =	swait.ge [sflag:s20], $0x800  }
0x55: {  	[sflag:s20] =	ssyncset.done $0x0  }
0x56: {  	[sflag:s20] =	ssyncadd.s32 $0xFFFFF800  }
0x57: {  	_ =	swait.ge [sflag:s20], $0x800  }
0x58: {  	[sflag:s20] =	ssyncset.done $0x0  }
0x59: {  	[sflag:s20] =	ssyncadd.s32 $0xFFFFF800  }
0x5a: {  	[hbm4b:s6+s3] =	stream.linear.scatter [tilespmem:s9], [sflag:$0x2], $0x7000, $0x38;
	[tilespmem:$0xD200] =	vst v63  }
0x5b: {  	s22 =	sadd.s32 $0xE00, s6;
	s23 =	simm.s32 $0x3800;
	_ =	swait.ge [sflag:s7], $0x7000  }
0x5c: {  	s24 =	simm.s32 $0x1C00;
	s25 =	rddreg [dreg:$0x4];
	[sflag:s7] =	ssyncset.done $0x0  }
.LBB2_2:
0x5d: {  	s26 =	sshra.s32 s24, $0x2;
	[sflag:s7] =	ssyncadd.s32 $0xFFFF9000  }
0x5e: {  	[tilespmem:s9], [sflag:$0x1] =	stream.indirect.gather [hbm4b:s2+s8], $0x10, s26, s8, $0xb8;
	[tilespmem:$0xD200] =	vst v63  }
0x5f: {  	s28 =	rddreg [dreg:$0x3];
	s29 =	sadd.s32 $0x80, s26  }
0x60: {  	[tilespmem:s28], [sflag:$0x1] =	stream.indirect.gather [hbm4b:s2+s8], $0x10, s29, s8, $0xb8;
	[tilespmem:$0xD200] =	vst v63  }
0x61: {  	s30 =	sadd.s32 $0x100, s26  }
0x62: {  	[tilespmem:s25], [sflag:$0x1] =	stream.indirect.gather [hbm4b:s2+s8], $0x10, s30, s8, $0xb8;
	[tilespmem:$0xD200] =	vst v63  }
0x63: {  	s31 =	rddreg [dreg:$0x5];
	s28 =	sadd.s32 $0x180, s26  }
0x64: {  	[tilespmem:s31], [sflag:$0x1] =	stream.indirect.gather [hbm4b:s2+s8], $0x10, s28, s8, $0xb8;
	[tilespmem:$0xD200] =	vst v63  }
0x65: {  	s30 =	sadd.s32 $0x200, s26  }
0x66: {  	[tilespmem:s10], [sflag:$0x1] =	stream.indirect.gather [hbm4b:s2+s8], $0x10, s30, s8, $0xb8;
	[tilespmem:$0xD200] =	vst v63  }
0x67: {  	s31 =	sadd.s32 $0x280, s26  }
0x68: {  	[tilespmem:s11], [sflag:$0x1] =	stream.indirect.gather [hbm4b:s2+s8], $0x10, s31, s8, $0xb8;
	[tilespmem:$0xD200] =	vst v63  }
0x69: {  	s28 =	sadd.s32 $0x300, s26  }
0x6a: {  	[tilespmem:s12], [sflag:$0x1] =	stream.indirect.gather [hbm4b:s2+s8], $0x10, s28, s8, $0xb8;
	[tilespmem:$0xD200] =	vst v63  }
0x6b: {  	s29 =	sadd.s32 $0x380, s26  }
0x6c: {  	[tilespmem:s13], [sflag:$0x1] =	stream.indirect.gather [hbm4b:s2+s8], $0x10, s29, s8, $0xb8;
	[tilespmem:$0xD200] =	vst v63  }
0x6d: {  	s30 =	sadd.s32 $0x400, s26  }
0x6e: {  	[tilespmem:s14], [sflag:$0x1] =	stream.indirect.gather [hbm4b:s2+s8], $0x10, s30, s8, $0xb8;
	[tilespmem:$0xD200] =	vst v63  }
0x6f: {  	s31 =	sadd.s32 $0x480, s26  }
0x70: {  	[tilespmem:s15], [sflag:$0x1] =	stream.indirect.gather [hbm4b:s2+s8], $0x10, s31, s8, $0xb8;
	[tilespmem:$0xD200] =	vst v63  }
0x71: {  	s28 =	sadd.s32 $0x500, s26  }
0x72: {  	[tilespmem:s16], [sflag:$0x1] =	stream.indirect.gather [hbm4b:s2+s8], $0x10, s28, s8, $0xb8;
	[tilespmem:$0xD200] =	vst v63  }
0x73: {  	s29 =	sadd.s32 $0x580, s26  }
0x74: {  	[tilespmem:s17], [sflag:$0x1] =	stream.indirect.gather [hbm4b:s2+s8], $0x10, s29, s8, $0xb8;
	[tilespmem:$0xD200] =	vst v63  }
0x75: {  	s30 =	sadd.s32 $0x600, s26  }
0x76: {  	[tilespmem:s18], [sflag:$0x1] =	stream.indirect.gather [hbm4b:s2+s8], $0x10, s30, s8, $0xb8;
	[tilespmem:$0xD200] =	vst v63  }
0x77: {  	s31 =	sadd.s32 $0x680, s26  }
0x78: {  	[tilespmem:s19], [sflag:$0x1] =	stream.indirect.gather [hbm4b:s2+s8], $0x10, s31, s8, $0xb8;
	[tilespmem:$0xD200] =	vst v63  }
0x79: {  	_ =	swait.ge [sflag:s20], $0x800  }
0x7a: {  	[sflag:s20] =	ssyncset.done $0x0  }
0x7b: {  	[sflag:s20] =	ssyncadd.s32 $0xFFFFF800  }
0x7c: {  	_ =	swait.ge [sflag:s20], $0x800  }
0x7d: {  	[sflag:s20] =	ssyncset.done $0x0  }
0x7e: {  	[sflag:s20] =	ssyncadd.s32 $0xFFFFF800  }
0x7f: {  	_ =	swait.ge [sflag:s20], $0x800  }
0x80: {  	[sflag:s20] =	ssyncset.done $0x0  }
0x81: {  	[sflag:s20] =	ssyncadd.s32 $0xFFFFF800  }
0x82: {  	_ =	swait.ge [sflag:s20], $0x800  }
0x83: {  	[sflag:s20] =	ssyncset.done $0x0  }
0x84: {  	[sflag:s20] =	ssyncadd.s32 $0xFFFFF800  }
0x85: {  	_ =	swait.ge [sflag:s20], $0x800  }
0x86: {  	[sflag:s20] =	ssyncset.done $0x0  }
0x87: {  	[sflag:s20] =	ssyncadd.s32 $0xFFFFF800  }
0x88: {  	_ =	swait.ge [sflag:s20], $0x800  }
0x89: {  	[sflag:s20] =	ssyncset.done $0x0  }
0x8a: {  	[sflag:s20] =	ssyncadd.s32 $0xFFFFF800  }
0x8b: {  	_ =	swait.ge [sflag:s20], $0x800  }
0x8c: {  	[sflag:s20] =	ssyncset.done $0x0  }
0x8d: {  	[sflag:s20] =	ssyncadd.s32 $0xFFFFF800  }
0x8e: {  	_ =	swait.ge [sflag:s20], $0x800  }
0x8f: {  	[sflag:s20] =	ssyncset.done $0x0  }
0x90: {  	[sflag:s20] =	ssyncadd.s32 $0xFFFFF800  }
0x91: {  	_ =	swait.ge [sflag:s20], $0x800  }
0x92: {  	[sflag:s20] =	ssyncset.done $0x0  }
0x93: {  	[sflag:s20] =	ssyncadd.s32 $0xFFFFF800  }
0x94: {  	_ =	swait.ge [sflag:s20], $0x800  }
0x95: {  	[sflag:s20] =	ssyncset.done $0x0  }
0x96: {  	[sflag:s20] =	ssyncadd.s32 $0xFFFFF800  }
0x97: {  	_ =	swait.ge [sflag:s20], $0x800  }
0x98: {  	[sflag:s20] =	ssyncset.done $0x0  }
0x99: {  	[sflag:s20] =	ssyncadd.s32 $0xFFFFF800  }
0x9a: {  	_ =	swait.ge [sflag:s20], $0x800  }
0x9b: {  	[sflag:s20] =	ssyncset.done $0x0  }
0x9c: {  	[sflag:s20] =	ssyncadd.s32 $0xFFFFF800  }
0x9d: {  	_ =	swait.ge [sflag:s20], $0x800  }
0x9e: {  	[sflag:s20] =	ssyncset.done $0x0  }
0x9f: {  	[sflag:s20] =	ssyncadd.s32 $0xFFFFF800  }
0xa0: {  	p0 =	sne.s32 s23, $0x16C00;
	_ =	swait.ge [sflag:s20], $0x800  }
.Ltmp0:
0xa1: {  	[sflag:s20] =	ssyncset.done $0x0;
	(pc) =	sbr.rel @p0 .LBB2_2-.Ltmp0, $4  }
0xa2: {  	[sflag:s20] =	ssyncadd.s32 $0xFFFFF800  }
0xa3: {  	[hbm4b:s22+s3] =	stream.linear.scatter [tilespmem:s9], [sflag:$0x2], $0x7000, $0x38;
	[tilespmem:$0xD200] =	vst v63  }
0xa4: {  	s24 =	smov.u32 s23;
	s23 =	sadd.s32 $0x1C00, s23;
	_ =	swait.ge [sflag:s7], $0x7000  }
0xa5: {  	s22 =	sadd.s32 $0xE00, s22;
	s25 =	rddreg [dreg:$0x4];
	[sflag:s7] =	ssyncset.done $0x0  }
0xa6: {  	s23 =	sshra.s32 s24, $0x2;
	[sflag:s7] =	ssyncadd.s32 $0xFFFF9000  }
0xa7: {  	[tilespmem:s9], [sflag:$0x1] =	stream.indirect.gather [hbm4b:s2+s8], $0x10, s23, s8, $0xb8;
	[tilespmem:$0xD200] =	vst v63  }
0xa8: {  	s29 =	rddreg [dreg:$0x3];
	s26 =	sadd.s32 $0x80, s23  }
0xa9: {  	[tilespmem:s29], [sflag:$0x1] =	stream.indirect.gather [hbm4b:s2+s8], $0x10, s26, s8, $0xb8;
	[tilespmem:$0xD200] =	vst v63  }
0xaa: {  	s30 =	sadd.s32 $0x100, s23  }
0xab: {  	[tilespmem:s25], [sflag:$0x1] =	stream.indirect.gather [hbm4b:s2+s8], $0x10, s30, s8, $0xb8;
	[tilespmem:$0xD200] =	vst v63  }
0xac: {  	s31 =	rddreg [dreg:$0x5];
	s28 =	sadd.s32 $0x180, s23  }
0xad: {  	[tilespmem:s31], [sflag:$0x1] =	stream.indirect.gather [hbm4b:s2+s8], $0x10, s28, s8, $0xb8;
	[tilespmem:$0xD200] =	vst v63  }
0xae: {  	s29 =	sadd.s32 $0x200, s23  }
0xaf: {  	[tilespmem:s10], [sflag:$0x1] =	stream.indirect.gather [hbm4b:s2+s8], $0x10, s29, s8, $0xb8;
	[tilespmem:$0xD200] =	vst v63  }
0xb0: {  	s30 =	sadd.s32 $0x280, s23  }
0xb1: {  	[tilespmem:s11], [sflag:$0x1] =	stream.indirect.gather [hbm4b:s2+s8], $0x10, s30, s8, $0xb8;
	[tilespmem:$0xD200] =	vst v63  }
0xb2: {  	s31 =	sadd.s32 $0x300, s23  }
0xb3: {  	[tilespmem:s12], [sflag:$0x1] =	stream.indirect.gather [hbm4b:s2+s8], $0x10, s31, s8, $0xb8;
	[tilespmem:$0xD200] =	vst v63  }
0xb4: {  	s25 =	sadd.s32 $0x380, s23  }
0xb5: {  	[tilespmem:s13], [sflag:$0x1] =	stream.indirect.gather [hbm4b:s2+s8], $0x10, s25, s8, $0xb8;
	[tilespmem:$0xD200] =	vst v63  }
0xb6: {  	s26 =	sadd.s32 $0x400, s23  }
0xb7: {  	[tilespmem:s14], [sflag:$0x1] =	stream.indirect.gather [hbm4b:s2+s8], $0x10, s26, s8, $0xb8;
	[tilespmem:$0xD200] =	vst v63  }
0xb8: {  	s28 =	sadd.s32 $0x480, s23  }
0xb9: {  	[tilespmem:s15], [sflag:$0x1] =	stream.indirect.gather [hbm4b:s2+s8], $0x10, s28, s8, $0xb8;
	[tilespmem:$0xD200] =	vst v63  }
0xba: {  	s29 =	sadd.s32 $0x500, s23  }
0xbb: {  	[tilespmem:s16], [sflag:$0x1] =	stream.indirect.gather [hbm4b:s2+s8], $0x10, s29, s8, $0xb8;
	[tilespmem:$0xD200] =	vst v63  }
0xbc: {  	s30 =	sadd.s32 $0x580, s23  }
0xbd: {  	[tilespmem:s17], [sflag:$0x1] =	stream.indirect.gather [hbm4b:s2+s8], $0x10, s30, s8, $0xb8;
	[tilespmem:$0xD200] =	vst v63  }
0xbe: {  	s31 =	sadd.s32 $0x600, s23  }
0xbf: {  	[tilespmem:s18], [sflag:$0x1] =	stream.indirect.gather [hbm4b:s2+s8], $0x10, s31, s8, $0xb8;
	[tilespmem:$0xD200] =	vst v63  }
0xc0: {  	s23 =	sadd.s32 $0x680, s23  }
0xc1: {  	[tilespmem:s19], [sflag:$0x1] =	stream.indirect.gather [hbm4b:s2+s8], $0x10, s23, s8, $0xb8;
	[tilespmem:$0xD200] =	vst v63  }
0xc2: {  	_ =	swait.ge [sflag:s20], $0x800  }
0xc3: {  	[sflag:s20] =	ssyncset.done $0x0  }
0xc4: {  	[sflag:s20] =	ssyncadd.s32 $0xFFFFF800  }
0xc5: {  	_ =	swait.ge [sflag:s20], $0x800  }
0xc6: {  	[sflag:s20] =	ssyncset.done $0x0  }
0xc7: {  	[sflag:s20] =	ssyncadd.s32 $0xFFFFF800  }
0xc8: {  	_ =	swait.ge [sflag:s20], $0x800  }
0xc9: {  	[sflag:s20] =	ssyncset.done $0x0  }
0xca: {  	[sflag:s20] =	ssyncadd.s32 $0xFFFFF800  }
0xcb: {  	_ =	swait.ge [sflag:s20], $0x800  }
0xcc: {  	[sflag:s20] =	ssyncset.done $0x0  }
0xcd: {  	[sflag:s20] =	ssyncadd.s32 $0xFFFFF800  }
0xce: {  	_ =	swait.ge [sflag:s20], $0x800  }
0xcf: {  	[sflag:s20] =	ssyncset.done $0x0  }
0xd0: {  	[sflag:s20] =	ssyncadd.s32 $0xFFFFF800  }
0xd1: {  	_ =	swait.ge [sflag:s20], $0x800  }
0xd2: {  	[sflag:s20] =	ssyncset.done $0x0  }
0xd3: {  	[sflag:s20] =	ssyncadd.s32 $0xFFFFF800  }
0xd4: {  	_ =	swait.ge [sflag:s20], $0x800  }
0xd5: {  	[sflag:s20] =	ssyncset.done $0x0  }
0xd6: {  	[sflag:s20] =	ssyncadd.s32 $0xFFFFF800  }
0xd7: {  	_ =	swait.ge [sflag:s20], $0x800  }
0xd8: {  	[sflag:s20] =	ssyncset.done $0x0  }
0xd9: {  	[sflag:s20] =	ssyncadd.s32 $0xFFFFF800  }
0xda: {  	_ =	swait.ge [sflag:s20], $0x800  }
0xdb: {  	[sflag:s20] =	ssyncset.done $0x0  }
0xdc: {  	[sflag:s20] =	ssyncadd.s32 $0xFFFFF800  }
0xdd: {  	_ =	swait.ge [sflag:s20], $0x800  }
0xde: {  	[sflag:s20] =	ssyncset.done $0x0  }
0xdf: {  	[sflag:s20] =	ssyncadd.s32 $0xFFFFF800  }
0xe0: {  	_ =	swait.ge [sflag:s20], $0x800  }
0xe1: {  	[sflag:s20] =	ssyncset.done $0x0  }
0xe2: {  	[sflag:s20] =	ssyncadd.s32 $0xFFFFF800  }
0xe3: {  	_ =	swait.ge [sflag:s20], $0x800  }
0xe4: {  	[sflag:s20] =	ssyncset.done $0x0  }
0xe5: {  	[sflag:s20] =	ssyncadd.s32 $0xFFFFF800  }
0xe6: {  	_ =	swait.ge [sflag:s20], $0x800  }
0xe7: {  	[sflag:s20] =	ssyncset.done $0x0  }
0xe8: {  	[sflag:s20] =	ssyncadd.s32 $0xFFFFF800  }
0xe9: {  	s21 =	sadd.s32 $0x1, s21;
	_ =	swait.ge [sflag:s20], $0x800  }
0xea: {  	p0 =	sne.s32 s21, s5;
	[sflag:s20] =	ssyncset.done $0x0  }
.Ltmp1:
0xeb: {  	[sflag:s20] =	ssyncadd.s32 $0xFFFFF800;
	(pc) =	sbr.rel @p0 .LBB2_1-.Ltmp1, $4  }
0xec: {  	[hbm4b:s22+s3] =	stream.linear.scatter [tilespmem:s9], [sflag:$0x2], $0x7000, $0x38;
	[tilespmem:$0xD200] =	vst v63  }
0xed: {  	_ =	swait.ge [sflag:s7], $0x7000  }
0xee: {  	[sflag:s7] =	ssyncset.done $0x0  }
0xef: {  	[sflag:s7] =	ssyncadd.s32 $0xFFFF9000  }
0xf0: {  	_ =	sfence.sel $0x180000  }
0xf1: {  	[bflag:$0x0] =	sbarrier.arrive $0xFFFF  }
0xf2: {  	p0 =	sne.s32 s0, $0x0;
	_ =	strace $0x90000047  }
0xf3: {  	s0 =	sadd.s32 @!p0 $0x100000, s1;
	[bflag:$0x2] =	sbarrier.arrive $0xFFFF  }
0xf4: {  	[sflag:s0] =	ssyncadd.tile.s32 @!p0 $0x1;
	_ =	shalt  }
.Lfunc_end2:
_tile_overlayer_lowered:
.L_overlay_start_2:
0xf5: {  	(tag) =	ssettag $0x2  }
0xf6: {  	s0 =	rddreg [dreg:$0x0];
	s2 =	stileid.u32  }
0xf7: {  	s1 =	rddreg [dreg:$0x1];
	p0 =	sne.s32 s2, $0x0  }
0xf8: {  	s3 =	rddreg [dreg:$0x2];
	[bflag:$0x3] =	sbarrier.arrive $0xFFFF;
	s2 =	simm.s32 @!p0 $0x1C02  }
0xf9: {  	[timem:s3], [sflag:s2] =	dma.local @!p0 [hbm:s0], s1  }
0xfa: {  	s0 =	simm.s32 @!p0 $0x2  }
0xfb: {  	_ =	swait.ge @!p0 [sflag:s0], s1  }
0xfc: {  	s1 =	ssub.s32 @!p0 $0x0, s1;
	[sflag:s0] =	ssyncset.done @!p0 $0x0  }
0xfd: {  	[sflag:s0] =	ssyncadd.s32 @!p0 s1  }
0xfe: {  	[bflag:$0x3] =	sbarrier.arrive $0xFFFF  }
0xff: {  	_ =	shalt  }

// kernel: kernel.9.cloned.1.call-start
scs
__scs_entry_jumppad:
0x0: {  	(pc) =	sbr.rel $0x88, $3  }
0x1: {  	(tag) =	ssettag $0x0;
	lr =	simm.s32 $0x1  }
0x2: {  	[smem:$0x3F99] =	sst lr;
	_ =	strace $0xD0000000  }
0x3: {  	_ = 	snop  }
0x4: {  	_ = 	snop  }
0x5: {  	_ = 	snop  }
0x6: {  	_ = 	snop  }
0x7: {  	_ = 	snop  }
__scs_overlays_trampoline_lowered:
0x8: {  	[smem:$0x3FA8] =	sst s0  }
0x9: {  	[smem:$0x3FA9] =	sst s1  }
0xa: {  	[smem:$0x3FAA] =	sst s2  }
0xb: {  	[smem:$0x3FAB] =	sst s3  }
0xc: {  	[smem:$0x3FAC] =	sst s4  }
0xd: {  	[smem:$0x3FAD] =	sst s5  }
0xe: {  	[smem:$0x3FAE] =	sst s6  }
0xf: {  	[smem:$0x3FAF] =	sst s7  }
0x10: {  	[smem:$0x3FB0] =	sst s8  }
0x11: {  	[smem:$0x3FB1] =	sst s9;
	s0 =	simm.s32 @!p0 $0x0  }
0x12: {  	s1 =	sld [smem:$0x3F97];
	s0 =	simm.s32 @p0 $0x1  }
0x13: {  	[smem:$0x3FB2] =	sst s0;
	s0 =	simm.s32 @!p1 $0x0  }
0x14: {  	s2 =	sld [smem:$0x3F96];
	s0 =	simm.s32 @p1 $0x1  }
0x15: {  	[smem:$0x3FB3] =	sst s0;
	s0 =	simm.s32 @!p2 $0x0  }
0x16: {  	s3 =	sld [smem:$0x3FDB];
	s0 =	simm.s32 @p2 $0x1  }
0x17: {  	s4 =	simm.s32 $0x1BF5;
	[smem:$0x3FB5] =	sst s0  }
0x18: {  	s0 =	sld [smem:$0x3F98];
	_ =	swait.ge [sflag:s4], $0x0  }
0x19: {  	s7 =	sld [smem:$0x3F99]  }
0x1a: {  	s8 =	sadd.s32 $0xFFFFE003, lr  }
0x1b: {  	s9 =	sadd.s32 $0xFFFFFEF7, lr;
	s5 =	simm.s32 $0xFFFFFFFF;
	p2 =	slt.u32 s8, $0xFFFFF086  }
0x1c: {  	p1 =	slt.u32 s9, $0xF7A;
	s5 =	simm.s32 @!p2 $0x0  }
0x1d: {  	s5 =	simm.s32 @p1 $0x1;
	p0 =	seq.s32 s7, s2  }
0x1e: {  	s7 =	smul.u32 @!p0 $0xF7A, s2;
	p2 =	seq.s32 @!p0 s5, $0x0  }
0x1f: {  	s9 =	smul.u32 $0xF7A, s1;
	s8 =	simm.s32 @!p0 $0x1BF5;
	p2 =	por !p2, p0  }
0x20: {  	[sflag:s8] =	ssyncset.s32 @!p0 $0xFFFFF086;
	s6 =	sadd.s32 @!p0 s3, s7;
	s7 =	simm.s32 @!p0 $0x108  }
0x21: {  	s3 =	sadd.s32 s3, s9;
	s6 =	sadd.s32 @!p0 $0x88, s6;
	s7 =	simm.s32 @p2 $0x1082  }
0x22: {  	[simem:s7], [sflag:s8] =	dma.local @!p0 [hbm:s6], $0xF7A  }
0x23: {  	s9 =	sor.u32 $0xD0000000, s2;
	s6 =	simm.s32 $0x108;
	_ =	swait.ge @!p0 [sflag:s8], $0x0  }
0x24: {  	s3 =	sadd.s32 $0x88, s3;
	s6 =	simm.s32 @!p1 $0x1082;
	[sflag:s4] =	ssyncset.s32 $0xFFFFF086  }
0x25: {  	[simem:s6], [sflag:s4] =	dma.local [hbm:s3], $0xF7A  }
0x26: {  	[smem:$0x3F99] =	sst s1;
	(tag) =	ssettag s2;
	_ =	strace s9  }
0x27: {  	s1 =	sld [smem:$0x3FA9]  }
0x28: {  	s2 =	sld [smem:$0x3FAA]  }
0x29: {  	s4 =	sld [smem:$0x3FAC]  }
0x2a: {  	p0 =	seq.s32 s5, $0x0;
	s5 =	sld [smem:$0x3FAD]  }
0x2b: {  	s6 =	sld [smem:$0x3FAE]  }
0x2c: {  	s7 =	sld [smem:$0x3FAF]  }
0x2d: {  	s3 =	simm.s32 $0x108;
	s8 =	sld [smem:$0x3FB0]  }
0x2e: {  	s3 =	simm.s32 @!p0 $0x1082;
	s9 =	sld [smem:$0x3FB1]  }
0x2f: {  	lr =	sadd.s32 s0, s3;
	s0 =	sld [smem:$0x3FA8]  }
0x30: {  	s3 =	sld [smem:$0x3FAB]  }
0x31: {  	[smem:$0x3FB4] =	sst s10  }
0x32: {  	s10 =	sld [smem:$0x3FB2];
	_ =	sdelay $0x3  }
0x33: {  	p0 =	seq.s32 s10, $0x1;
	s10 =	sld [smem:$0x3FB4];
	_ =	sdelay $0x3  }
0x34: {  	[smem:$0x3FB4] =	sst s10  }
0x35: {  	s10 =	sld [smem:$0x3FB3];
	_ =	sdelay $0x3  }
0x36: {  	p1 =	seq.s32 s10, $0x1;
	s10 =	sld [smem:$0x3FB4];
	_ =	sdelay $0x3  }
0x37: {  	[smem:$0x3FB4] =	sst s10  }
0x38: {  	s10 =	sld [smem:$0x3FB5]  }
0x39: {  	_ = 	snop;
	(pc) =	sbr.ind lr, $3  }
0x3a: {  	_ = 	snop  }
0x3b: {  	_ = 	snop  }
0x3c: {  	p2 =	seq.s32 s10, $0x1;
	s10 =	sld [smem:$0x3FB4]  }
0x3d: {  	_ =	shalt  }
0x3e: {  	_ =	shalt  }
0x3f: {  	_ =	shalt  }
0x40: {  	_ =	shalt  }
0x41: {  	_ =	shalt  }
0x42: {  	_ =	shalt  }
0x43: {  	_ =	shalt  }
0x44: {  	_ =	shalt  }
0x45: {  	_ =	shalt  }
0x46: {  	_ =	shalt  }
0x47: {  	_ =	shalt  }
0x48: {  	_ =	shalt  }
0x49: {  	_ =	shalt  }
0x4a: {  	_ =	shalt  }
0x4b: {  	_ =	shalt  }
0x4c: {  	_ =	shalt  }
0x4d: {  	_ =	shalt  }
0x4e: {  	_ =	shalt  }
0x4f: {  	_ =	shalt  }
0x50: {  	_ =	shalt  }
0x51: {  	_ =	shalt  }
0x52: {  	_ =	shalt  }
0x53: {  	_ =	shalt  }
0x54: {  	_ =	shalt  }
0x55: {  	_ =	shalt  }
0x56: {  	_ =	shalt  }
0x57: {  	_ =	shalt  }
0x58: {  	_ =	shalt  }
0x59: {  	_ =	shalt  }
0x5a: {  	_ =	shalt  }
0x5b: {  	_ =	shalt  }
0x5c: {  	_ =	shalt  }
0x5d: {  	_ =	shalt  }
0x5e: {  	_ =	shalt  }
0x5f: {  	_ =	shalt  }
0x60: {  	_ =	shalt  }
0x61: {  	_ =	shalt  }
0x62: {  	_ =	shalt  }
0x63: {  	_ =	shalt  }
0x64: {  	_ =	shalt  }
0x65: {  	_ =	shalt  }
0x66: {  	_ =	shalt  }
0x67: {  	_ =	shalt  }
0x68: {  	_ =	shalt  }
0x69: {  	_ =	shalt  }
0x6a: {  	_ =	shalt  }
0x6b: {  	_ =	shalt  }
0x6c: {  	_ =	shalt  }
0x6d: {  	_ =	shalt  }
0x6e: {  	_ =	shalt  }
0x6f: {  	_ =	shalt  }
0x70: {  	_ =	shalt  }
0x71: {  	_ =	shalt  }
0x72: {  	_ =	shalt  }
0x73: {  	_ =	shalt  }
0x74: {  	_ =	shalt  }
0x75: {  	_ =	shalt  }
0x76: {  	_ =	shalt  }
0x77: {  	_ =	shalt  }
0x78: {  	_ =	shalt  }
0x79: {  	_ =	shalt  }
0x7a: {  	_ =	shalt  }
0x7b: {  	_ =	shalt  }
0x7c: {  	_ =	shalt  }
0x7d: {  	_ =	shalt  }
0x7e: {  	_ =	shalt  }
0x7f: {  	_ =	shalt  }
0x80: {  	_ =	shalt  }
0x81: {  	_ =	shalt  }
0x82: {  	_ =	shalt  }
0x83: {  	_ =	shalt  }
0x84: {  	_ =	shalt  }
0x85: {  	_ =	shalt  }
0x86: {  	_ =	shalt  }
0x87: {  	_ =	shalt  }
.Lfunc_end0:
.L_simem_size_0:
called_computation.1_lowered:
.L_overlay_start_0:
0x88: {  	s2 =	sld [smem:$0x3FD9]  }
0x89: {  	s3 =	sld [smem:$0x3FFE];
	_ =	sdelay $0x1  }
0x8a: {  	s1 =	srdreg.scid  }
0x8b: {  	s0 =	sand.u32 $0x1, s1  }
0x8c: {  	s17 =	sshll.u32 s0, $0xA;
	s2 =	sadd.s32 s3, s2  }
0x8d: {  	s2 =	sadd.s32 s2, s17  }
0x8e: {  	[smem:$0x3FC0] =	sst s2  }
0x8f: {  	_ = 	snop  }
0x90: {  	s2 =	sld [smem:$0x3FD0];
	(tm) =	ssettm $0x1  }
0x91: {  	s18 =	sld [smem:$0x3FFB];
	_ =	sdelay $0x3  }
0x92: {  	_ =	strace s18  }
0x93: {  	s3 =	sld [smem:$0x3FFC];
	_ =	sdelay $0x3  }
0x94: {  	_ =	strace s3  }
0x95: {  	s3 =	sld [smem:$0x3FFD];
	_ =	sdelay $0x3  }
0x96: {  	_ =	strace s3  }
0x97: {  	_ =	strace $0x8FFFFFFF  }
0x98: {  	s19 =	sld [smem:$0x3FDB];
	_ =	sdelay $0x1  }
0x99: {  	s4 =	simm.s32 $_scs_section_size  }
0x9a: {  	s5 =	simm.s32 $_size__tile_overlayer_lowered;
	s6 =	simm.s32 $_tile_overlayer_lowered  }
0x9b: {  	s22 =	simm.s32 $0x1BFF;
	s21 =	sshll.u32 s6, $0x1;
	s3 =	sadd.s32 s4, s19  }
0x9c: {  	s7 =	simm.s32 $0x0;
	s20 =	sshll.u32 s5, $0x1;
	s5 =	sadd.s32 s21, s3  }
0x9d: {  	[timem:s7], [sflag:s22] =	dma.local [hbm:s5], s20  }
0x9e: {  	_ =	swait.ge [sflag:s22], s20  }
0x9f: {  	s4 =	ssub.s32 $0x0, s20;
	[sflag:s22] =	ssyncset.done $0x0  }
0xa0: {  	[sflag:s22] =	ssyncadd.s32 s4;
	_ =	sdelay $0x1  }
0xa1: {  	s23 =	simm.s32 $0x1B8B  }
0xa2: {  	_ =	swait.ge [sflag:s23], $0x1  }
0xa3: {  	[sflag:s23] =	ssyncset.done $0x0  }
0xa4: {  	s25 =	simm.s32 $0x1B8E;
	s24 =	sld [smem:$0x3FFE];
	[sflag:s23] =	ssyncadd.s32 $0xFFFFFFFF  }
0xa5: {  	s26 =	simm.s32 $execute0_lowered;
	[smem:$0x3FD2] =	sst s25  }
0xa6: {  	s5 =	sshll.u32 s26, $0x1;
	_ =	strace $0x80000049;
	[dreg:$0x1] =	wrdreg $0xFFFFFFFF  }
0xa7: {  	s28 =	simm.s32 $_size_execute0_lowered;
	s3 =	sadd.s32 s3, s5;
	[dreg:$0x0] =	wrdreg $0x0  }
0xa8: {  	s5 =	sshll.u32 s28, $0x1;
	[dreg:$0x2] =	wrdreg s3  }
0xa9: {  	[dreg:$0x3] =	wrdreg s5  }
0xaa: {  	[dreg:$0x4] =	wrdreg $0xC0  }
0xab: {  	_ =	task [dreg:s7], $0x5FFFF  }
0xac: {  	[dreg:$0x1] =	wrdreg $0xFFFFFFFF  }
0xad: {  	[dreg:$0x0] =	wrdreg $0x60  }
0xae: {  	[dreg:$0x2] =	wrdreg s24  }
0xaf: {  	[dreg:$0x3] =	wrdreg s2  }
0xb0: {  	[dreg:$0x4] =	wrdreg $0xD2000  }
0xb1: {  	[dreg:$0x5] =	wrdreg $0x9  }
0xb2: {  	_ =	task.clear_ibuf [dreg:s7], $0x6FFFF;
	_ =	strace $0x90000049  }
0xb3: {  	s29 =	simm.s32 $0x9;
	_ =	strace $0x8000004B  }
0xb4: {  	_ =	swait.ge [sflag:s29], $0x1  }
0xb5: {  	[sflag:s29] =	ssyncadd.s32 $0xFFFFFFFF  }
0xb6: {  	_ =	strace $0x9000004B  }
0xb7: {  	_ =	sfence  }
0xb8: {  	s30 =	sld [smem:$0x0];
	_ =	sdelay $0x2  }
0xb9: {  	s31 =	sshll.u32 s1, $0xD;
	s1 =	sshrl.u32 s1, $0x2  }
0xba: {  	s3 =	sand.u32 $0x4000, s31;
	s1 =	sadd.s32 s1, s30  }
0xbb: {  	s0 =	sor.u32 s3, s0;
	s1 =	sshll.u32 s1, $0x11  }
0xbc: {  	s0 =	sor.u32 s1, s0  }
0xbd: {  	s0 =	sadd.s32 $0x8F2B, s0  }
0xbe: {  	[sflag:s0] =	ssyncadd.remote.s32 $0x1  }
0xbf: {  	_ =	sfence.sel $0xFFFF  }
0xc0: {  	[dreg:$0x0] =	wrdreg $0xFFFFFFFF;
	(pc) =	sbr.abs _section_cstart, $3  }
0xc1: {  	[dreg:$0x1] =	wrdreg $0xFFFFFFFF  }
0xc2: {  	_ =	task.clear_ibuf [dreg:s7], $0x2FFFF;
	_ =	strace $0x9FFFFFFF  }
0xc3: {  	(tm) =	ssettm $0x7FFFFFFF  }
tec
execute0_lowered:
.L_overlay_start_1:
0x0: {  	(tag) =	ssettag $0x1  }
0x1: {  	s5 =	rddreg [dreg:$0x0]  }
0x2: {  	s0 =	stileid.u32;
	s2 =	rddreg [dreg:$0x1]  }
0x3: {  	s1 =	srdreg.scid;
	s3 =	rddreg [dreg:$0x2];
	s4 =	simm.s32 $0x0  }
0x4: {  	s30 =	simm.s32 $0x6A00;
	s31 =	simm.s32 $0x7200;
	s14 =	simm.s32 $0x8200  }
0x5: {  	s15 =	simm.s32 $0x8A00;
	s16 =	simm.s32 $0x9200;
	s17 =	simm.s32 $0x9A00  }
0x6: {  	s18 =	simm.s32 $0xA200;
	s19 =	simm.s32 $0xAA00;
	s20 =	simm.s32 $0xB200  }
0x7: {  	s21 =	simm.s32 $0xBA00;
	s22 =	simm.s32 $0xC200;
	s7 =	smul.u32 $0x18800, s0  }
0x8: {  	s23 =	simm.s32 $0xCA00;
	s6 =	sand.u32 $0x1, s1;
	s10 =	smul.u32 $0xC380, s0  }
0x9: {  	s25 =	sshll.u32 s0, $0x1;
	[smem:$0x7FF] =	sst s4;
	s9 =	smul.u32 $0xC3800, s6  }
0xa: {  	p0 =	sne.s32 s0, $0x0;
	s1 =	sor.u32 s6, s25;
	s13 =	smul.u32 $0xC400, s6  }
0xb: {  	s11 =	ssub.s32 $0x2, s6;
	s25 =	simm.s32 $0x0;
	s8 =	smul.u32 $0x6200, s1  }
0xc: {  	s1 =	rddreg [dreg:$0x3];
	_ =	strace $0x8000004A;
	s7 =	sadd.s32 s7, s5  }
0xd: {  	s12 =	sshrl.u32 s11, $0x1;
	s24 =	sadd.s32 s10, s3;
	[dreg:$0x4] =	wrdreg s30  }
0xe: {  	[dreg:$0x5] =	wrdreg s31;
	s9 =	sadd.s32 s10, s9;
	s28 =	ssub.s32 s11, s12  }
0xf: {  	s29 =	sadd.s32 s13, s7;
	s10 =	sshrl.u32 @!p0 s3, $0x3;
	s11 =	simm.s32 $0x6200  }
0x10: {  	s12 =	simm.s32 $0x80;
	s13 =	simm.s32 $0x7A00;
	s24 =	sshrl.u32 s24, $0x3  }
0x11: {  	s8 =	sshrl.u32 s8, $0x3;
	s9 =	sshrl.u32 s9, $0x3;
	s7 =	smax.u32 s28, $0x1  }
0x12: {  	s8 =	sadd.s32 s8, s5;
	s26 =	sadd.s32 s9, s5;
	s9 =	simm.s32 $0x1  }
0x13: {  	s5 =	sadd.s32 $0x27E000, s8;
	s6 =	sadd.s32 $0xE00, s26;
	s8 =	sadd.s32 $0x296800, s29  }
.LBB2_1:
0x14: {  	[tilespmem:s4], [sflag:$0x1] =	stream.linear.gather [hbm4b:s5+s4], $0x6200, $0x38;
	[tilespmem:$0x19580] =	vst v63  }
0x15: {  	_ =	swait.ge [sflag:s9], $0x6200  }
0x16: {  	[sflag:s9] =	ssyncset.done $0x0  }
0x17: {  	s26 =	simm.s32 @!p0 $0x1C01;
	[sflag:s9] =	ssyncadd.s32 $0xFFFF9E00  }
0x18: {  	[spmem:s10], [sflag:s26] =	dma.local @!p0 [hbm:s2], $0x18700  }
0x19: {  	s26 =	simm.s32 @!p0 $0x1  }
0x1a: {  	_ =	swait.ge @!p0 [sflag:s26], $0x18700  }
0x1b: {  	[sflag:s26] =	ssyncset.done @!p0 $0x0  }
0x1c: {  	[sflag:s26] =	ssyncadd.s32 @!p0 $0xFFFE7900  }
0x1d: {  	[bflag:$0x0] =	sbarrier.arrive $0xFFFF  }
0x1e: {  	[tilespmem:s11], [sflag:$0x1] =	stream.linear.gather [hbm4b:s8+s4], $0x7000, $0x38;
	[tilespmem:$0x19580] =	vst v63  }
0x1f: {  	_ =	swait.ge [sflag:s9], $0x7000  }
0x20: {  	[sflag:s9] =	ssyncset.done $0x0  }
0x21: {  	s30 =	simm.s32 $0x0;
	[sflag:s9] =	ssyncadd.s32 $0xFFFF9000  }
0x22: {  	[spmem:s3] =	stream.indirect.scatter.add.f32 [tilespmem:s11], [sflag:$0x1], $0x10, s30, s12, $0xb8;
	[tilespmem:$0x19580] =	vst v63  }
0x23: {  	_ =	swait.ge [sflag:s9], $0x800  }
0x24: {  	[sflag:s9] =	ssyncset.done $0x0  }
0x25: {  	s28 =	simm.s32 $0x80;
	s31 =	rddreg [dreg:$0x4];
	[sflag:s9] =	ssyncadd.s32 $0xFFFFF800  }
0x26: {  	[spmem:s3] =	stream.indirect.scatter.add.f32 [tilespmem:s31], [sflag:$0x1], $0x10, s28, s12, $0xb8;
	[tilespmem:$0x19580] =	vst v63  }
0x27: {  	_ =	swait.ge [sflag:s9], $0x800  }
0x28: {  	[sflag:s9] =	ssyncset.done $0x0  }
0x29: {  	s28 =	simm.s32 $0x100;
	s29 =	rddreg [dreg:$0x5];
	[sflag:s9] =	ssyncadd.s32 $0xFFFFF800  }
0x2a: {  	[spmem:s3] =	stream.indirect.scatter.add.f32 [tilespmem:s29], [sflag:$0x1], $0x10, s28, s12, $0xb8;
	[tilespmem:$0x19580] =	vst v63  }
0x2b: {  	_ =	swait.ge [sflag:s9], $0x800  }
0x2c: {  	[sflag:s9] =	ssyncset.done $0x0  }
0x2d: {  	s30 =	simm.s32 $0x180;
	[sflag:s9] =	ssyncadd.s32 $0xFFFFF800  }
0x2e: {  	[spmem:s3] =	stream.indirect.scatter.add.f32 [tilespmem:s13], [sflag:$0x1], $0x10, s30, s12, $0xb8;
	[tilespmem:$0x19580] =	vst v63  }
0x2f: {  	_ =	swait.ge [sflag:s9], $0x800  }
0x30: {  	[sflag:s9] =	ssyncset.done $0x0  }
0x31: {  	s31 =	simm.s32 $0x200;
	[sflag:s9] =	ssyncadd.s32 $0xFFFFF800  }
0x32: {  	[spmem:s3] =	stream.indirect.scatter.add.f32 [tilespmem:s14], [sflag:$0x1], $0x10, s31, s12, $0xb8;
	[tilespmem:$0x19580] =	vst v63  }
0x33: {  	_ =	swait.ge [sflag:s9], $0x800  }
0x34: {  	[sflag:s9] =	ssyncset.done $0x0  }
0x35: {  	s29 =	simm.s32 $0x280;
	[sflag:s9] =	ssyncadd.s32 $0xFFFFF800  }
0x36: {  	[spmem:s3] =	stream.indirect.scatter.add.f32 [tilespmem:s15], [sflag:$0x1], $0x10, s29, s12, $0xb8;
	[tilespmem:$0x19580] =	vst v63  }
0x37: {  	_ =	swait.ge [sflag:s9], $0x800  }
0x38: {  	[sflag:s9] =	ssyncset.done $0x0  }
0x39: {  	s30 =	simm.s32 $0x300;
	[sflag:s9] =	ssyncadd.s32 $0xFFFFF800  }
0x3a: {  	[spmem:s3] =	stream.indirect.scatter.add.f32 [tilespmem:s16], [sflag:$0x1], $0x10, s30, s12, $0xb8;
	[tilespmem:$0x19580] =	vst v63  }
0x3b: {  	_ =	swait.ge [sflag:s9], $0x800  }
0x3c: {  	[sflag:s9] =	ssyncset.done $0x0  }
0x3d: {  	s31 =	simm.s32 $0x380;
	[sflag:s9] =	ssyncadd.s32 $0xFFFFF800  }
0x3e: {  	[spmem:s3] =	stream.indirect.scatter.add.f32 [tilespmem:s17], [sflag:$0x1], $0x10, s31, s12, $0xb8;
	[tilespmem:$0x19580] =	vst v63  }
0x3f: {  	_ =	swait.ge [sflag:s9], $0x800  }
0x40: {  	[sflag:s9] =	ssyncset.done $0x0  }
0x41: {  	s29 =	simm.s32 $0x400;
	[sflag:s9] =	ssyncadd.s32 $0xFFFFF800  }
0x42: {  	[spmem:s3] =	stream.indirect.scatter.add.f32 [tilespmem:s18], [sflag:$0x1], $0x10, s29, s12, $0xb8;
	[tilespmem:$0x19580] =	vst v63  }
0x43: {  	_ =	swait.ge [sflag:s9], $0x800  }
0x44: {  	[sflag:s9] =	ssyncset.done $0x0  }
0x45: {  	s30 =	simm.s32 $0x480;
	[sflag:s9] =	ssyncadd.s32 $0xFFFFF800  }
0x46: {  	[spmem:s3] =	stream.indirect.scatter.add.f32 [tilespmem:s19], [sflag:$0x1], $0x10, s30, s12, $0xb8;
	[tilespmem:$0x19580] =	vst v63  }
0x47: {  	_ =	swait.ge [sflag:s9], $0x800  }
0x48: {  	[sflag:s9] =	ssyncset.done $0x0  }
0x49: {  	s31 =	simm.s32 $0x500;
	[sflag:s9] =	ssyncadd.s32 $0xFFFFF800  }
0x4a: {  	[spmem:s3] =	stream.indirect.scatter.add.f32 [tilespmem:s20], [sflag:$0x1], $0x10, s31, s12, $0xb8;
	[tilespmem:$0x19580] =	vst v63  }
0x4b: {  	_ =	swait.ge [sflag:s9], $0x800  }
0x4c: {  	[sflag:s9] =	ssyncset.done $0x0  }
0x4d: {  	s29 =	simm.s32 $0x580;
	[sflag:s9] =	ssyncadd.s32 $0xFFFFF800  }
0x4e: {  	[spmem:s3] =	stream.indirect.scatter.add.f32 [tilespmem:s21], [sflag:$0x1], $0x10, s29, s12, $0xb8;
	[tilespmem:$0x19580] =	vst v63  }
0x4f: {  	_ =	swait.ge [sflag:s9], $0x800  }
0x50: {  	[sflag:s9] =	ssyncset.done $0x0  }
0x51: {  	s30 =	simm.s32 $0x600;
	[sflag:s9] =	ssyncadd.s32 $0xFFFFF800  }
0x52: {  	[spmem:s3] =	stream.indirect.scatter.add.f32 [tilespmem:s22], [sflag:$0x1], $0x10, s30, s12, $0xb8;
	[tilespmem:$0x19580] =	vst v63  }
0x53: {  	_ =	swait.ge [sflag:s9], $0x800  }
0x54: {  	[sflag:s9] =	ssyncset.done $0x0  }
0x55: {  	s31 =	simm.s32 $0x680;
	[sflag:s9] =	ssyncadd.s32 $0xFFFFF800  }
0x56: {  	[spmem:s3] =	stream.indirect.scatter.add.f32 [tilespmem:s23], [sflag:$0x1], $0x10, s31, s12, $0xb8;
	[tilespmem:$0x19580] =	vst v63  }
0x57: {  	_ =	swait.ge [sflag:s9], $0x800  }
0x58: {  	s26 =	simm.s32 $0x1C00;
	s28 =	smov.u32 s8;
	[sflag:s9] =	ssyncset.done $0x0  }
.LBB2_2:
0x59: {  	[sflag:s9] =	ssyncadd.s32 $0xFFFFF800;
	s28 =	sadd.s32 $0xE00, s28  }
0x5a: {  	[tilespmem:s11], [sflag:$0x1] =	stream.linear.gather [hbm4b:s28+s4], $0x7000, $0x38;
	[tilespmem:$0x19580] =	vst v63  }
0x5b: {  	_ =	swait.ge [sflag:s9], $0x7000  }
0x5c: {  	s29 =	smov.u32 s26;
	[sflag:s9] =	ssyncset.done $0x0  }
0x5d: {  	s29 =	sshra.s32 s29, $0x2;
	[sflag:s9] =	ssyncadd.s32 $0xFFFF9000  }
0x5e: {  	[spmem:s3] =	stream.indirect.scatter.add.f32 [tilespmem:s11], [sflag:$0x1], $0x10, s29, s12, $0xb8;
	[tilespmem:$0x19580] =	vst v63  }
0x5f: {  	_ =	swait.ge [sflag:s9], $0x800  }
0x60: {  	[sflag:s9] =	ssyncset.done $0x0  }
0x61: {  	s31 =	sadd.s32 $0x80, s29;
	s30 =	rddreg [dreg:$0x4];
	[sflag:s9] =	ssyncadd.s32 $0xFFFFF800  }
0x62: {  	[spmem:s3] =	stream.indirect.scatter.add.f32 [tilespmem:s30], [sflag:$0x1], $0x10, s31, s12, $0xb8;
	[tilespmem:$0x19580] =	vst v63  }
0x63: {  	_ =	swait.ge [sflag:s9], $0x800  }
0x64: {  	[sflag:s9] =	ssyncset.done $0x0  }
0x65: {  	s31 =	sadd.s32 $0x100, s29;
	s30 =	rddreg [dreg:$0x5];
	[sflag:s9] =	ssyncadd.s32 $0xFFFFF800  }
0x66: {  	[spmem:s3] =	stream.indirect.scatter.add.f32 [tilespmem:s30], [sflag:$0x1], $0x10, s31, s12, $0xb8;
	[tilespmem:$0x19580] =	vst v63  }
0x67: {  	_ =	swait.ge [sflag:s9], $0x800  }
0x68: {  	[sflag:s9] =	ssyncset.done $0x0  }
0x69: {  	s31 =	sadd.s32 $0x180, s29;
	[sflag:s9] =	ssyncadd.s32 $0xFFFFF800  }
0x6a: {  	[spmem:s3] =	stream.indirect.scatter.add.f32 [tilespmem:s13], [sflag:$0x1], $0x10, s31, s12, $0xb8;
	[tilespmem:$0x19580] =	vst v63  }
0x6b: {  	_ =	swait.ge [sflag:s9], $0x800  }
0x6c: {  	[sflag:s9] =	ssyncset.done $0x0  }
0x6d: {  	s31 =	sadd.s32 $0x200, s29;
	[sflag:s9] =	ssyncadd.s32 $0xFFFFF800  }
0x6e: {  	[spmem:s3] =	stream.indirect.scatter.add.f32 [tilespmem:s14], [sflag:$0x1], $0x10, s31, s12, $0xb8;
	[tilespmem:$0x19580] =	vst v63  }
0x6f: {  	_ =	swait.ge [sflag:s9], $0x800  }
0x70: {  	[sflag:s9] =	ssyncset.done $0x0  }
0x71: {  	s31 =	sadd.s32 $0x280, s29;
	[sflag:s9] =	ssyncadd.s32 $0xFFFFF800  }
0x72: {  	[spmem:s3] =	stream.indirect.scatter.add.f32 [tilespmem:s15], [sflag:$0x1], $0x10, s31, s12, $0xb8;
	[tilespmem:$0x19580] =	vst v63  }
0x73: {  	_ =	swait.ge [sflag:s9], $0x800  }
0x74: {  	[sflag:s9] =	ssyncset.done $0x0  }
0x75: {  	s31 =	sadd.s32 $0x300, s29;
	[sflag:s9] =	ssyncadd.s32 $0xFFFFF800  }
0x76: {  	[spmem:s3] =	stream.indirect.scatter.add.f32 [tilespmem:s16], [sflag:$0x1], $0x10, s31, s12, $0xb8;
	[tilespmem:$0x19580] =	vst v63  }
0x77: {  	_ =	swait.ge [sflag:s9], $0x800  }
0x78: {  	[sflag:s9] =	ssyncset.done $0x0  }
0x79: {  	s31 =	sadd.s32 $0x380, s29;
	[sflag:s9] =	ssyncadd.s32 $0xFFFFF800  }
0x7a: {  	[spmem:s3] =	stream.indirect.scatter.add.f32 [tilespmem:s17], [sflag:$0x1], $0x10, s31, s12, $0xb8;
	[tilespmem:$0x19580] =	vst v63  }
0x7b: {  	_ =	swait.ge [sflag:s9], $0x800  }
0x7c: {  	[sflag:s9] =	ssyncset.done $0x0  }
0x7d: {  	s31 =	sadd.s32 $0x400, s29;
	[sflag:s9] =	ssyncadd.s32 $0xFFFFF800  }
0x7e: {  	[spmem:s3] =	stream.indirect.scatter.add.f32 [tilespmem:s18], [sflag:$0x1], $0x10, s31, s12, $0xb8;
	[tilespmem:$0x19580] =	vst v63  }
0x7f: {  	_ =	swait.ge [sflag:s9], $0x800  }
0x80: {  	[sflag:s9] =	ssyncset.done $0x0  }
0x81: {  	s31 =	sadd.s32 $0x480, s29;
	[sflag:s9] =	ssyncadd.s32 $0xFFFFF800  }
0x82: {  	[spmem:s3] =	stream.indirect.scatter.add.f32 [tilespmem:s19], [sflag:$0x1], $0x10, s31, s12, $0xb8;
	[tilespmem:$0x19580] =	vst v63  }
0x83: {  	_ =	swait.ge [sflag:s9], $0x800  }
0x84: {  	[sflag:s9] =	ssyncset.done $0x0  }
0x85: {  	s31 =	sadd.s32 $0x500, s29;
	[sflag:s9] =	ssyncadd.s32 $0xFFFFF800  }
0x86: {  	[spmem:s3] =	stream.indirect.scatter.add.f32 [tilespmem:s20], [sflag:$0x1], $0x10, s31, s12, $0xb8;
	[tilespmem:$0x19580] =	vst v63  }
0x87: {  	_ =	swait.ge [sflag:s9], $0x800  }
0x88: {  	[sflag:s9] =	ssyncset.done $0x0  }
0x89: {  	s31 =	sadd.s32 $0x580, s29;
	[sflag:s9] =	ssyncadd.s32 $0xFFFFF800  }
0x8a: {  	[spmem:s3] =	stream.indirect.scatter.add.f32 [tilespmem:s21], [sflag:$0x1], $0x10, s31, s12, $0xb8;
	[tilespmem:$0x19580] =	vst v63  }
0x8b: {  	_ =	swait.ge [sflag:s9], $0x800  }
0x8c: {  	[sflag:s9] =	ssyncset.done $0x0  }
0x8d: {  	s31 =	sadd.s32 $0x600, s29;
	[sflag:s9] =	ssyncadd.s32 $0xFFFFF800  }
0x8e: {  	[spmem:s3] =	stream.indirect.scatter.add.f32 [tilespmem:s22], [sflag:$0x1], $0x10, s31, s12, $0xb8;
	[tilespmem:$0x19580] =	vst v63  }
0x8f: {  	p1 =	sne.s32 s26, $0x16C00;
	_ =	swait.ge [sflag:s9], $0x800  }
.Ltmp0:
0x90: {  	[sflag:s9] =	ssyncset.done $0x0;
	(pc) =	sbr.rel @p1 .LBB2_2-.Ltmp0, $4  }
0x91: {  	s29 =	sadd.s32 $0x680, s29;
	[sflag:s9] =	ssyncadd.s32 $0xFFFFF800  }
0x92: {  	[spmem:s3] =	stream.indirect.scatter.add.f32 [tilespmem:s23], [sflag:$0x1], $0x10, s29, s12, $0xb8;
	[tilespmem:$0x19580] =	vst v63  }
0x93: {  	_ =	swait.ge [sflag:s9], $0x800  }
0x94: {  	s26 =	sadd.s32 $0x1C00, s26;
	[sflag:s9] =	ssyncset.done $0x0  }
0x95: {  	s25 =	sadd.s32 $0x1, s25  }
0x96: {  	[sflag:s9] =	ssyncadd.s32 $0xFFFFF800;
	s26 =	sshll.u32 s0, $0x6;
	p1 =	sne.s32 s25, s7  }
.Ltmp1:
0x97: {  	[bflag:$0x0] =	sbarrier.arrive $0xFFFF;
	s26 =	sor.u32 $0x1C01, s26;
	(pc) =	sbr.rel @p1 .LBB2_1-.Ltmp1, $4  }
0x98: {  	[hbm:s6], [sflag:s26] =	dma.local [spmem:s24], $0x1870  }
0x99: {  	_ =	swait.ge [sflag:s9], $0x1870  }
0x9a: {  	[sflag:s9] =	ssyncset.done $0x0  }
0x9b: {  	[sflag:s9] =	ssyncadd.s32 $0xFFFFE790  }
0x9c: {  	_ =	sfence.sel $0x180000  }
0x9d: {  	[bflag:$0x0] =	sbarrier.arrive $0xFFFF  }
0x9e: {  	_ =	strace $0x9000004A  }
0x9f: {  	s0 =	sadd.s32 @!p0 $0x100000, s1;
	[bflag:$0x2] =	sbarrier.arrive $0xFFFF  }
0xa0: {  	[sflag:s0] =	ssyncadd.tile.s32 @!p0 $0x1;
	_ =	shalt  }
.Lfunc_end2:
_tile_overlayer_lowered:
.L_overlay_start_2:
0xa1: {  	(tag) =	ssettag $0x2  }
0xa2: {  	s0 =	rddreg [dreg:$0x0];
	s2 =	stileid.u32  }
0xa3: {  	s1 =	rddreg [dreg:$0x1];
	p0 =	sne.s32 s2, $0x0  }
0xa4: {  	s3 =	rddreg [dreg:$0x2];
	[bflag:$0x3] =	sbarrier.arrive $0xFFFF;
	s2 =	simm.s32 @!p0 $0x1C01  }
0xa5: {  	[timem:s3], [sflag:s2] =	dma.local @!p0 [hbm:s0], s1  }
0xa6: {  	s0 =	simm.s32 @!p0 $0x1  }
0xa7: {  	_ =	swait.ge @!p0 [sflag:s0], s1  }
0xa8: {  	s1 =	ssub.s32 @!p0 $0x0, s1;
	[sflag:s0] =	ssyncset.done @!p0 $0x0  }
0xa9: {  	[sflag:s0] =	ssyncadd.s32 @!p0 s1  }
0xaa: {  	[bflag:$0x3] =	sbarrier.arrive $0xFFFF  }
0xab: {  	_ =	shalt  }

</sc_bundles>
